<compile_context>
chip_gen: v7x
topology: tpu7x:2x2x1
jax: 0.10.2.dev20260603
libtpu: 0.0.44.dev20260713+nightly
codegen_flags: <defaults>
</compile_context>

<pallas_src>
import functools

import jax
import jax.numpy as jnp
from jax import lax
from jax.experimental import pallas as pl
from jax.experimental.pallas import tpu as pltpu
from jax.experimental.pallas import tpu_sc as plsc

_SCALE = 8.0
_LANES = 16
_PITCH = 129


@functools.cache
def _make_gather(V, D, H, B):
    info = plsc.get_sparse_core_info()
    NC, NS = info.num_cores, info.num_subcores
    NW = NC * NS
    BT = B // 128
    assert BT == NW and D == 64
    DT = D // 8
    NG = D // _LANES

    mesh = plsc.VectorSubcoreMesh(core_axis_name="c", subcore_axis_name="s")

    @functools.partial(
        pl.kernel,
        mesh=mesh,
        out_type=jax.ShapeDtypeStruct((H, DT, BT, 8, 128), jnp.float32),
        name="emb_gather_sc",
        scratch_types=[
            pltpu.VMEM((H, 128), jnp.int32),
            pltpu.VMEM((128, D), jnp.float32),
            pltpu.VMEM((128, D), jnp.float32),
            pltpu.VMEM((D * _PITCH,), jnp.float32),
            pltpu.VMEM((DT, 1, 8, 128), jnp.float32),
            pltpu.VMEM((DT, 1, 8, 128), jnp.float32),
            pltpu.SemaphoreType.DMA,
            pltpu.SemaphoreType.DMA,
            pltpu.SemaphoreType.DMA,
            pltpu.SemaphoreType.DMA,
        ],
        compiler_params=pltpu.CompilerParams(
            use_tc_tiling_on_sc=False, needs_layout_passes=False),
    )
    def gather_kernel(table_hbm, idx_hbm, out_hbm,
                      idx_v, a0, a1, tmp, b0, b1, gs0, gs1, os0, os1):
        A = (a0, a1)
        Bb = (b0, b1)
        gsem = (gs0, gs1)
        osem = (os0, os1)
        wid = lax.axis_index("s") * NC + lax.axis_index("c")

        pltpu.sync_copy(idx_hbm.at[:, pl.ds(wid * 128, 128)], idx_v)

        iot = lax.iota(jnp.int32, _LANES)
        base_g = [(iot + _LANES * g) * _PITCH for g in range(NG)]

        def start_gather(h, buf):
            pltpu.async_copy(
                table_hbm.at[idx_v.at[h]], A[buf], gsem[buf])

        def wait_gather(h, buf):
            pltpu.make_async_copy(
                table_hbm.at[idx_v.at[h]], A[buf], gsem[buf]).wait()

        def start_out(h, buf):
            pltpu.async_copy(
                Bb[buf], out_hbm.at[h, :, pl.ds(wid, 1)], osem[buf])

        def wait_out(h, buf):
            pltpu.make_async_copy(
                Bb[buf], out_hbm.at[h, :, pl.ds(wid, 1)], osem[buf]).wait()

        start_gather(0, 0)
        start_gather(1, 1)

        def pair_body(p, carry):
            for buf in range(2):
                h = p * 2 + buf
                wait_gather(h, buf)

                @pl.when(h >= 2)
                def _():
                    wait_out(h - 2, buf)

                a = A[buf]
                bv = Bb[buf]

                @plsc.parallel_loop(0, 128, unroll=4)
                def _(bl):
                    for g in range(NG):
                        v = a[bl, pl.ds(g * _LANES, _LANES)]
                        plsc.store_scatter(tmp, [base_g[g] + bl], v)

                @plsc.parallel_loop(0, D, unroll=4)
                def _(d):
                    dt = lax.shift_right_logical(d, 3)
                    ds = d & 7
                    row = d * _PITCH
                    for k in range(8):
                        v = tmp[pl.ds(row + k * _LANES, _LANES)] * _SCALE
                        bv[dt, 0, ds, pl.ds(k * _LANES, _LANES)] = v

                start_out(h, buf)

                @pl.when(h + 2 < H)
                def _():
                    start_gather(h + 2, buf)

            return carry

        lax.fori_loop(0, H // 2, pair_body, 0)
        wait_out(H - 2, 0)
        wait_out(H - 1, 1)

    return gather_kernel


def kernel(x, table):
    B, H = x.shape
    V, D = table.shape
    xT = jnp.transpose(x).astype(jnp.int32)
    img = _make_gather(V, D, H, B)(table, xT)
    out = img.transpose(2, 4, 0, 1, 3).reshape(B, H, D)
    return out

# --- scband reference (transcript-rebuilt; emitter-appended) ---
"""Pipeline reference for scband-embedding-23768349016293 (READ-ONLY COPY).

The authoritative reference and input builder live on the scoring server;
editing this copy changes nothing except your own understanding.
"""

import jax, jax.numpy as jnp
import numpy as np

VOCAB_SIZE = 1000000
D_MODEL = 64
BATCH = 4096
HIST = 200

def setup_inputs(seed: int = 0) -> dict:
    key = jax.random.key(seed)
    k_idx, k_tab = jax.random.split(key)
    x = jax.random.randint(k_idx, (BATCH, HIST), 0, VOCAB_SIZE, dtype=jnp.int64 if jax.config.jax_enable_x64 else jnp.int32)
    # nn.Embedding default init: N(0, 1)
    table = jax.random.normal(k_tab, (VOCAB_SIZE, D_MODEL), dtype=jnp.float32)
    return {"x": x, "table": table}

def reference(x, table):
    # faithful translation: embedding(x) * sqrt(d_model)
    emb = jnp.take(table, x, axis=0)
    scale = jnp.sqrt(jnp.asarray(D_MODEL, dtype=emb.dtype))
    return emb * scale

if __name__ == "__main__":
    import jax
    _d = setup_inputs()
    print(jax.jit(kernel)(*tuple(_d.values())))

</pallas_src>

<mosaic_0001>
#map = affine_map<(d0, d1) -> (0, 0)>
#map1 = affine_map<(d0, d1) -> (0, 0, 0, 0, 0)>
module attributes {stable_mosaic.version = 14 : i64} {
  func.func @emb_gather_sc(%arg0: i32, %arg1: i32, %arg2: memref<1000000x64xf32, #tpu.memory_space<hbm>>, %arg3: memref<200x4096xi32, #tpu.memory_space<hbm>>, %arg4: memref<200x8x32x8x128xf32, #tpu.memory_space<hbm>>, %arg5: memref<200x128xi32, #tpu.memory_space<vmem>>, %arg6: memref<128x64xf32, #tpu.memory_space<vmem>>, %arg7: memref<128x64xf32, #tpu.memory_space<vmem>>, %arg8: memref<8256xf32, #tpu.memory_space<vmem>>, %arg9: memref<8x1x8x128xf32, #tpu.memory_space<vmem>>, %arg10: memref<8x1x8x128xf32, #tpu.memory_space<vmem>>, %arg11: memref<!tpu.dma_semaphore, #tpu.memory_space<semaphore_mem>>, %arg12: memref<!tpu.dma_semaphore, #tpu.memory_space<semaphore_mem>>, %arg13: memref<!tpu.dma_semaphore, #tpu.memory_space<semaphore_mem>>, %arg14: memref<!tpu.dma_semaphore, #tpu.memory_space<semaphore_mem>>) attributes {dimension_semantics = [#tpu.dimension_semantics<core_parallel>, #tpu.dimension_semantics<subcore_parallel>], iteration_bounds = array<i64: 2, 16>, scalar_prefetch = 0 : i64, scratch_operands = 10 : i64, tpu.core_type = #tpu.core_type<sc_vector_subcore>, window_params = [{transform_indices = #map}, {transform_indices = #map}, {transform_indices = #map1}]} {
    %mul3A = arith.constant 2 : i32
    %mul3A_0 = arith.muli %arg1, %mul3A : i32
    %add3A = arith.addi %mul3A_0, %arg0 : i32
    %mul3A_1 = arith.constant 128 : i32
    %mul3A_2 = arith.muli %add3A, %mul3A_1 : i32
    "tpu.region"() ({
      %run_scoped3A = tpu.sem_alloc : memref<!tpu.dma_semaphore, #tpu.memory_space<semaphore_mem>>
      %dma_start3A_66 = arith.constant 0 : i32
      %dma_start3A_67 = tpu.memref_slice %arg3[%dma_start3A_66, %mul3A_2] : memref<200x4096xi32, #tpu.memory_space<hbm>> -> memref<200x128xi32, #tpu.memory_space<hbm>>
      %dma_start3A_68 = arith.constant 0 : i32
      %dma_start3A_69 = tpu.memref_slice %arg3[%dma_start3A_68, %mul3A_2] : memref<200x4096xi32, #tpu.memory_space<hbm>> -> memref<200x128xi32, #tpu.memory_space<hbm>>
      tpu.enqueue_dma source(%dma_start3A_69 : memref<200x128xi32, #tpu.memory_space<hbm>>) target(%arg5 : memref<200x128xi32, #tpu.memory_space<vmem>>) target_semaphore(%run_scoped3A : memref<!tpu.dma_semaphore, #tpu.memory_space<semaphore_mem>>)
      %dma_wait3A_70 = arith.constant 0 : i32
      %dma_wait3A_71 = tpu.memref_slice %arg3[%dma_wait3A_70, %mul3A_2] : memref<200x4096xi32, #tpu.memory_space<hbm>> -> memref<200x128xi32, #tpu.memory_space<hbm>>
      %dma_wait3A_72 = arith.constant 0 : i32
      %dma_wait3A_73 = tpu.memref_slice %arg3[%dma_wait3A_72, %mul3A_2] : memref<200x4096xi32, #tpu.memory_space<hbm>> -> memref<200x128xi32, #tpu.memory_space<hbm>>
      tpu.wait_dma2 semaphore(%run_scoped3A : memref<!tpu.dma_semaphore, #tpu.memory_space<semaphore_mem>>) src(%dma_wait3A_73 : memref<200x128xi32, #tpu.memory_space<hbm>>) dst(%arg5 : memref<200x128xi32, #tpu.memory_space<vmem>>)
      tpu.yield
    }) : () -> ()
    %iota3A = tpu.iota {dimensions = array<i32: 0>} : vector<16xi32>
    %add3A_3 = arith.constant 0 : i32
    %add3A_4 = vector.broadcast %add3A_3 : i32 to vector<16xi32>
    %add3A_5 = arith.addi %iota3A, %add3A_4 : vector<16xi32>
    %mul3A_6 = arith.constant 129 : i32
    %mul3A_7 = vector.broadcast %mul3A_6 : i32 to vector<16xi32>
    %mul3A_8 = arith.muli %add3A_5, %mul3A_7 : vector<16xi32>
    %add3A_9 = arith.constant 16 : i32
    %add3A_10 = vector.broadcast %add3A_9 : i32 to vector<16xi32>
    %add3A_11 = arith.addi %iota3A, %add3A_10 : vector<16xi32>
    %mul3A_12 = arith.constant 129 : i32
    %mul3A_13 = vector.broadcast %mul3A_12 : i32 to vector<16xi32>
    %mul3A_14 = arith.muli %add3A_11, %mul3A_13 : vector<16xi32>
    %add3A_15 = arith.constant 32 : i32
    %add3A_16 = vector.broadcast %add3A_15 : i32 to vector<16xi32>
    %add3A_17 = arith.addi %iota3A, %add3A_16 : vector<16xi32>
    %mul3A_18 = arith.constant 129 : i32
    %mul3A_19 = vector.broadcast %mul3A_18 : i32 to vector<16xi32>
    %mul3A_20 = arith.muli %add3A_17, %mul3A_19 : vector<16xi32>
    %add3A_21 = arith.constant 48 : i32
    %add3A_22 = vector.broadcast %add3A_21 : i32 to vector<16xi32>
    %add3A_23 = arith.addi %iota3A, %add3A_22 : vector<16xi32>
    %mul3A_24 = arith.constant 129 : i32
    %mul3A_25 = vector.broadcast %mul3A_24 : i32 to vector<16xi32>
    %mul3A_26 = arith.muli %add3A_23, %mul3A_25 : vector<16xi32>
    %dma_start3A = arith.constant 0 : i32
    %dma_start3A_27 = arith.constant 0 : i32
    %dma_start3A_28 = tpu.memref_slice %arg5[%dma_start3A, %dma_start3A_27] : memref<200x128xi32, #tpu.memory_space<vmem>> -> memref<1x128xi32, #tpu.memory_space<vmem>>
    %dma_start3A_29 = tpu.memref_squeeze %dma_start3A_28 : memref<1x128xi32, #tpu.memory_space<vmem>> -> memref<128xi32, #tpu.memory_space<vmem>>
    %dma_start3A_30 = arith.constant 0 : i32
    %dma_start3A_31 = arith.constant 0 : i32
    %dma_start3A_32 = tpu.memref_slice %arg2[%dma_start3A_30, %dma_start3A_31] : memref<1000000x64xf32, #tpu.memory_space<hbm>> -> memref<1000000x64xf32, #tpu.memory_space<hbm>>
    tpu.enqueue_indirect_dma source(%dma_start3A_32 : memref<1000000x64xf32, #tpu.memory_space<hbm>>) target(%arg6 : memref<128x64xf32, #tpu.memory_space<vmem>>) offsets(%dma_start3A_29 : memref<128xi32, #tpu.memory_space<vmem>>) semaphore(%arg11 : memref<!tpu.dma_semaphore, #tpu.memory_space<semaphore_mem>>)
    %dma_start3A_33 = arith.constant 1 : i32
    %dma_start3A_34 = arith.constant 0 : i32
    %dma_start3A_35 = tpu.memref_slice %arg5[%dma_start3A_33, %dma_start3A_34] : memref<200x128xi32, #tpu.memory_space<vmem>> -> memref<1x128xi32, #tpu.memory_space<vmem>>
    %dma_start3A_36 = tpu.memref_squeeze %dma_start3A_35 : memref<1x128xi32, #tpu.memory_space<vmem>> -> memref<128xi32, #tpu.memory_space<vmem>>
    %dma_start3A_37 = arith.constant 0 : i32
    %dma_start3A_38 = arith.constant 0 : i32
    %dma_start3A_39 = tpu.memref_slice %arg2[%dma_start3A_37, %dma_start3A_38] : memref<1000000x64xf32, #tpu.memory_space<hbm>> -> memref<1000000x64xf32, #tpu.memory_space<hbm>>
    tpu.enqueue_indirect_dma source(%dma_start3A_39 : memref<1000000x64xf32, #tpu.memory_space<hbm>>) target(%arg7 : memref<128x64xf32, #tpu.memory_space<vmem>>) offsets(%dma_start3A_36 : memref<128xi32, #tpu.memory_space<vmem>>) semaphore(%arg12 : memref<!tpu.dma_semaphore, #tpu.memory_space<semaphore_mem>>)
    %scan3A = arith.constant 0 : i32
    %scan3A_40 = arith.constant 0 : i32
    %scan3A_41 = arith.constant 100 : i32
    %scan3A_42 = arith.addi %scan3A_40, %scan3A_41 : i32
    %scan3A_43 = arith.constant 1 : i32
    scf.for %scan3A_66 = %scan3A_40 to %scan3A_42 step %scan3A_43  : i32 {
      %mul3A_67 = arith.constant 2 : i32
      %mul3A_68 = arith.muli %scan3A_66, %mul3A_67 : i32
      %add3A_69 = arith.constant 0 : i32
      %add3A_70 = arith.addi %mul3A_68, %add3A_69 : i32
      %dma_wait3A_71 = arith.constant 0 : i32
      %dma_wait3A_72 = tpu.memref_slice %arg5[%add3A_70, %dma_wait3A_71] : memref<200x128xi32, #tpu.memory_space<vmem>> -> memref<1x128xi32, #tpu.memory_space<vmem>>
      %dma_wait3A_73 = tpu.memref_squeeze %dma_wait3A_72 : memref<1x128xi32, #tpu.memory_space<vmem>> -> memref<128xi32, #tpu.memory_space<vmem>>
      %dma_wait3A_74 = arith.constant 0 : i32
      %dma_wait3A_75 = arith.constant 0 : i32
      %dma_wait3A_76 = tpu.memref_slice %arg2[%dma_wait3A_74, %dma_wait3A_75] : memref<1000000x64xf32, #tpu.memory_space<hbm>> -> memref<1000000x64xf32, #tpu.memory_space<hbm>>
      tpu.wait_indirect_dma semaphore(%arg11 : memref<!tpu.dma_semaphore, #tpu.memory_space<semaphore_mem>>) src(%dma_wait3A_76 : memref<1000000x64xf32, #tpu.memory_space<hbm>>) dst(%arg6 : memref<128x64xf32, #tpu.memory_space<vmem>>)
      %ge3A = arith.constant 2 : i32
      %ge3A_77 = arith.cmpi sge, %add3A_70, %ge3A : i32
      %convert_element_type3A = arith.extui %ge3A_77 : i1 to i32
      %cond3A = arith.constant 0 : i32
      %cond3A_78 = arith.cmpi ne, %convert_element_type3A, %cond3A : i32
      scf.if %cond3A_78 {
        %sub3A = arith.constant 2 : i32
        %sub3A_138 = arith.subi %add3A_70, %sub3A : i32
        %dma_wait3A_139 = arith.constant 0 : i32
        %dma_wait3A_140 = arith.constant 0 : i32
        %dma_wait3A_141 = arith.constant 0 : i32
        %dma_wait3A_142 = tpu.memref_slice %arg4[%sub3A_138, %dma_wait3A_139, %add3A, %dma_wait3A_140, %dma_wait3A_141] : memref<200x8x32x8x128xf32, #tpu.memory_space<hbm>> -> memref<1x8x1x8x128xf32, #tpu.memory_space<hbm>>
        %dma_wait3A_143 = tpu.memref_squeeze %dma_wait3A_142 : memref<1x8x1x8x128xf32, #tpu.memory_space<hbm>> -> memref<8x1x8x128xf32, #tpu.memory_space<hbm>>
        %dma_wait3A_144 = arith.constant 0 : i32
        %dma_wait3A_145 = arith.constant 0 : i32
        %dma_wait3A_146 = arith.constant 0 : i32
        %dma_wait3A_147 = tpu.memref_slice %arg4[%sub3A_138, %dma_wait3A_144, %add3A, %dma_wait3A_145, %dma_wait3A_146] : memref<200x8x32x8x128xf32, #tpu.memory_space<hbm>> -> memref<1x8x1x8x128xf32, #tpu.memory_space<hbm>>
        %dma_wait3A_148 = tpu.memref_squeeze %dma_wait3A_147 : memref<1x8x1x8x128xf32, #tpu.memory_space<hbm>> -> memref<8x1x8x128xf32, #tpu.memory_space<hbm>>
        tpu.wait_dma2 semaphore(%arg13 : memref<!tpu.dma_semaphore, #tpu.memory_space<semaphore_mem>>) src(%arg9 : memref<8x1x8x128xf32, #tpu.memory_space<vmem>>) dst(%dma_wait3A_148 : memref<8x1x8x128xf32, #tpu.memory_space<hbm>>)
      } else {
      }
      %parallel_loop3A = arith.constant 0 : i32
      %parallel_loop3A_79 = arith.constant 128 : i32
      %parallel_loop3A_80 = arith.constant 1 : i32
      scf.for %parallel_loop3A_138 = %parallel_loop3A to %parallel_loop3A_79 step %parallel_loop3A_80  : i32 {
        %parallel_loop3A_139 = arith.index_cast %parallel_loop3A_138 : i32 to index
        %parallel_loop3A_140 = arith.constant 0 : index
        %parallel_loop3A_141 = tpu.vector_load %arg6[%parallel_loop3A_139, %parallel_loop3A_140] {strides = array<i32>} : memref<128x64xf32, #tpu.memory_space<vmem>>, vector<16xf32>,
        %parallel_loop3A_142 = vector.broadcast %parallel_loop3A_138 : i32 to vector<16xi32>
        %parallel_loop3A_143 = arith.addi %mul3A_8, %parallel_loop3A_142 : vector<16xi32>
        tpu.vector_store_idx %arg8[%parallel_loop3A_143], %parallel_loop3A_141 : memref<8256xf32, #tpu.memory_space<vmem>>[vector<16xi32>], vector<16xf32>,
        %parallel_loop3A_144 = arith.index_cast %parallel_loop3A_138 : i32 to index
        %parallel_loop3A_145 = arith.constant 16 : index
        %parallel_loop3A_146 = tpu.vector_load %arg6[%parallel_loop3A_144, %parallel_loop3A_145] {strides = array<i32>} : memref<128x64xf32, #tpu.memory_space<vmem>>, vector<16xf32>,
        %parallel_loop3A_147 = vector.broadcast %parallel_loop3A_138 : i32 to vector<16xi32>
        %parallel_loop3A_148 = arith.addi %mul3A_14, %parallel_loop3A_147 : vector<16xi32>
        tpu.vector_store_idx %arg8[%parallel_loop3A_148], %parallel_loop3A_146 : memref<8256xf32, #tpu.memory_space<vmem>>[vector<16xi32>], vector<16xf32>,
        %parallel_loop3A_149 = arith.index_cast %parallel_loop3A_138 : i32 to index
        %parallel_loop3A_150 = arith.constant 32 : index
        %parallel_loop3A_151 = tpu.vector_load %arg6[%parallel_loop3A_149, %parallel_loop3A_150] {strides = array<i32>} : memref<128x64xf32, #tpu.memory_space<vmem>>, vector<16xf32>,
        %parallel_loop3A_152 = vector.broadcast %parallel_loop3A_138 : i32 to vector<16xi32>
        %parallel_loop3A_153 = arith.addi %mul3A_20, %parallel_loop3A_152 : vector<16xi32>
        tpu.vector_store_idx %arg8[%parallel_loop3A_153], %parallel_loop3A_151 : memref<8256xf32, #tpu.memory_space<vmem>>[vector<16xi32>], vector<16xf32>,
        %parallel_loop3A_154 = arith.index_cast %parallel_loop3A_138 : i32 to index
        %parallel_loop3A_155 = arith.constant 48 : index
        %parallel_loop3A_156 = tpu.vector_load %arg6[%parallel_loop3A_154, %parallel_loop3A_155] {strides = array<i32>} : memref<128x64xf32, #tpu.memory_space<vmem>>, vector<16xf32>,
        %parallel_loop3A_157 = vector.broadcast %parallel_loop3A_138 : i32 to vector<16xi32>
        %parallel_loop3A_158 = arith.addi %mul3A_26, %parallel_loop3A_157 : vector<16xi32>
        tpu.vector_store_idx %arg8[%parallel_loop3A_158], %parallel_loop3A_156 : memref<8256xf32, #tpu.memory_space<vmem>>[vector<16xi32>], vector<16xf32>,
      } {sc.loop_unroll_factor = 4 : i64, sc.parallel_access}
      %parallel_loop3A_81 = arith.constant 0 : i32
      %parallel_loop3A_82 = arith.constant 64 : i32
      %parallel_loop3A_83 = arith.constant 1 : i32
      scf.for %parallel_loop3A_138 = %parallel_loop3A_81 to %parallel_loop3A_82 step %parallel_loop3A_83  : i32 {
        %parallel_loop3A_139 = arith.constant 3 : i32
        %parallel_loop3A_140 = arith.shrui %parallel_loop3A_138, %parallel_loop3A_139 : i32
        %parallel_loop3A_141 = arith.constant 7 : i32
        %parallel_loop3A_142 = arith.andi %parallel_loop3A_138, %parallel_loop3A_141 : i32
        %parallel_loop3A_143 = arith.constant 129 : i32
        %parallel_loop3A_144 = arith.muli %parallel_loop3A_138, %parallel_loop3A_143 : i32
        %parallel_loop3A_145 = arith.constant 0 : i32
        %parallel_loop3A_146 = arith.addi %parallel_loop3A_144, %parallel_loop3A_145 : i32
        %parallel_loop3A_147 = arith.index_cast %parallel_loop3A_146 : i32 to index
        %parallel_loop3A_148 = tpu.vector_load %arg8[%parallel_loop3A_147] {strides = array<i32>} : memref<8256xf32, #tpu.memory_space<vmem>>, vector<16xf32>,
        %parallel_loop3A_149 = arith.constant 8.000000e+00 : f32
        %parallel_loop3A_150 = vector.broadcast %parallel_loop3A_149 : f32 to vector<16xf32>
        %parallel_loop3A_151 = arith.mulf %parallel_loop3A_148, %parallel_loop3A_150 : vector<16xf32>
        %parallel_loop3A_152 = arith.constant 0 : i32
        %parallel_loop3A_153 = arith.index_cast %parallel_loop3A_140 : i32 to index
        %parallel_loop3A_154 = arith.index_cast %parallel_loop3A_152 : i32 to index
        %parallel_loop3A_155 = arith.index_cast %parallel_loop3A_142 : i32 to index
        %parallel_loop3A_156 = arith.constant 0 : index
        %parallel_loop3A_157 = tpu.vector_load %arg9[%parallel_loop3A_153, %parallel_loop3A_154, %parallel_loop3A_155, %parallel_loop3A_156] {strides = array<i32>} : memref<8x1x8x128xf32, #tpu.memory_space<vmem>>, vector<16xf32>,
        tpu.vector_store %arg9[%parallel_loop3A_153, %parallel_loop3A_154, %parallel_loop3A_155, %parallel_loop3A_156], %parallel_loop3A_151 {strides = array<i32>} : memref<8x1x8x128xf32, #tpu.memory_space<vmem>>, vector<16xf32>,
        %parallel_loop3A_158 = arith.constant 16 : i32
        %parallel_loop3A_159 = arith.addi %parallel_loop3A_144, %parallel_loop3A_158 : i32
        %parallel_loop3A_160 = arith.index_cast %parallel_loop3A_159 : i32 to index
        %parallel_loop3A_161 = tpu.vector_load %arg8[%parallel_loop3A_160] {strides = array<i32>} : memref<8256xf32, #tpu.memory_space<vmem>>, vector<16xf32>,
        %parallel_loop3A_162 = arith.constant 8.000000e+00 : f32
        %parallel_loop3A_163 = vector.broadcast %parallel_loop3A_162 : f32 to vector<16xf32>
        %parallel_loop3A_164 = arith.mulf %parallel_loop3A_161, %parallel_loop3A_163 : vector<16xf32>
        %parallel_loop3A_165 = arith.constant 0 : i32
        %parallel_loop3A_166 = arith.index_cast %parallel_loop3A_140 : i32 to index
        %parallel_loop3A_167 = arith.index_cast %parallel_loop3A_165 : i32 to index
        %parallel_loop3A_168 = arith.index_cast %parallel_loop3A_142 : i32 to index
        %parallel_loop3A_169 = arith.constant 16 : index
        %parallel_loop3A_170 = tpu.vector_load %arg9[%parallel_loop3A_166, %parallel_loop3A_167, %parallel_loop3A_168, %parallel_loop3A_169] {strides = array<i32>} : memref<8x1x8x128xf32, #tpu.memory_space<vmem>>, vector<16xf32>,
        tpu.vector_store %arg9[%parallel_loop3A_166, %parallel_loop3A_167, %parallel_loop3A_168, %parallel_loop3A_169], %parallel_loop3A_164 {strides = array<i32>} : memref<8x1x8x128xf32, #tpu.memory_space<vmem>>, vector<16xf32>,
        %parallel_loop3A_171 = arith.constant 32 : i32
        %parallel_loop3A_172 = arith.addi %parallel_loop3A_144, %parallel_loop3A_171 : i32
        %parallel_loop3A_173 = arith.index_cast %parallel_loop3A_172 : i32 to index
        %parallel_loop3A_174 = tpu.vector_load %arg8[%parallel_loop3A_173] {strides = array<i32>} : memref<8256xf32, #tpu.memory_space<vmem>>, vector<16xf32>,
        %parallel_loop3A_175 = arith.constant 8.000000e+00 : f32
        %parallel_loop3A_176 = vector.broadcast %parallel_loop3A_175 : f32 to vector<16xf32>
        %parallel_loop3A_177 = arith.mulf %parallel_loop3A_174, %parallel_loop3A_176 : vector<16xf32>
        %parallel_loop3A_178 = arith.constant 0 : i32
        %parallel_loop3A_179 = arith.index_cast %parallel_loop3A_140 : i32 to index
        %parallel_loop3A_180 = arith.index_cast %parallel_loop3A_178 : i32 to index
        %parallel_loop3A_181 = arith.index_cast %parallel_loop3A_142 : i32 to index
        %parallel_loop3A_182 = arith.constant 32 : index
        %parallel_loop3A_183 = tpu.vector_load %arg9[%parallel_loop3A_179, %parallel_loop3A_180, %parallel_loop3A_181, %parallel_loop3A_182] {strides = array<i32>} : memref<8x1x8x128xf32, #tpu.memory_space<vmem>>, vector<16xf32>,
        tpu.vector_store %arg9[%parallel_loop3A_179, %parallel_loop3A_180, %parallel_loop3A_181, %parallel_loop3A_182], %parallel_loop3A_177 {strides = array<i32>} : memref<8x1x8x128xf32, #tpu.memory_space<vmem>>, vector<16xf32>,
        %parallel_loop3A_184 = arith.constant 48 : i32
        %parallel_loop3A_185 = arith.addi %parallel_loop3A_144, %parallel_loop3A_184 : i32
        %parallel_loop3A_186 = arith.index_cast %parallel_loop3A_185 : i32 to index
        %parallel_loop3A_187 = tpu.vector_load %arg8[%parallel_loop3A_186] {strides = array<i32>} : memref<8256xf32, #tpu.memory_space<vmem>>, vector<16xf32>,
        %parallel_loop3A_188 = arith.constant 8.000000e+00 : f32
        %parallel_loop3A_189 = vector.broadcast %parallel_loop3A_188 : f32 to vector<16xf32>
        %parallel_loop3A_190 = arith.mulf %parallel_loop3A_187, %parallel_loop3A_189 : vector<16xf32>
        %parallel_loop3A_191 = arith.constant 0 : i32
        %parallel_loop3A_192 = arith.index_cast %parallel_loop3A_140 : i32 to index
        %parallel_loop3A_193 = arith.index_cast %parallel_loop3A_191 : i32 to index
        %parallel_loop3A_194 = arith.index_cast %parallel_loop3A_142 : i32 to index
        %parallel_loop3A_195 = arith.constant 48 : index
        %parallel_loop3A_196 = tpu.vector_load %arg9[%parallel_loop3A_192, %parallel_loop3A_193, %parallel_loop3A_194, %parallel_loop3A_195] {strides = array<i32>} : memref<8x1x8x128xf32, #tpu.memory_space<vmem>>, vector<16xf32>,
        tpu.vector_store %arg9[%parallel_loop3A_192, %parallel_loop3A_193, %parallel_loop3A_194, %parallel_loop3A_195], %parallel_loop3A_190 {strides = array<i32>} : memref<8x1x8x128xf32, #tpu.memory_space<vmem>>, vector<16xf32>,
        %parallel_loop3A_197 = arith.constant 64 : i32
        %parallel_loop3A_198 = arith.addi %parallel_loop3A_144, %parallel_loop3A_197 : i32
        %parallel_loop3A_199 = arith.index_cast %parallel_loop3A_198 : i32 to index
        %parallel_loop3A_200 = tpu.vector_load %arg8[%parallel_loop3A_199] {strides = array<i32>} : memref<8256xf32, #tpu.memory_space<vmem>>, vector<16xf32>,
        %parallel_loop3A_201 = arith.constant 8.000000e+00 : f32
        %parallel_loop3A_202 = vector.broadcast %parallel_loop3A_201 : f32 to vector<16xf32>
        %parallel_loop3A_203 = arith.mulf %parallel_loop3A_200, %parallel_loop3A_202 : vector<16xf32>
        %parallel_loop3A_204 = arith.constant 0 : i32
        %parallel_loop3A_205 = arith.index_cast %parallel_loop3A_140 : i32 to index
        %parallel_loop3A_206 = arith.index_cast %parallel_loop3A_204 : i32 to index
        %parallel_loop3A_207 = arith.index_cast %parallel_loop3A_142 : i32 to index
        %parallel_loop3A_208 = arith.constant 64 : index
        %parallel_loop3A_209 = tpu.vector_load %arg9[%parallel_loop3A_205, %parallel_loop3A_206, %parallel_loop3A_207, %parallel_loop3A_208] {strides = array<i32>} : memref<8x1x8x128xf32, #tpu.memory_space<vmem>>, vector<16xf32>,
        tpu.vector_store %arg9[%parallel_loop3A_205, %parallel_loop3A_206, %parallel_loop3A_207, %parallel_loop3A_208], %parallel_loop3A_203 {strides = array<i32>} : memref<8x1x8x128xf32, #tpu.memory_space<vmem>>, vector<16xf32>,
        %parallel_loop3A_210 = arith.constant 80 : i32
        %parallel_loop3A_211 = arith.addi %parallel_loop3A_144, %parallel_loop3A_210 : i32
        %parallel_loop3A_212 = arith.index_cast %parallel_loop3A_211 : i32 to index
        %parallel_loop3A_213 = tpu.vector_load %arg8[%parallel_loop3A_212] {strides = array<i32>} : memref<8256xf32, #tpu.memory_space<vmem>>, vector<16xf32>,
        %parallel_loop3A_214 = arith.constant 8.000000e+00 : f32
        %parallel_loop3A_215 = vector.broadcast %parallel_loop3A_214 : f32 to vector<16xf32>
        %parallel_loop3A_216 = arith.mulf %parallel_loop3A_213, %parallel_loop3A_215 : vector<16xf32>
        %parallel_loop3A_217 = arith.constant 0 : i32
        %parallel_loop3A_218 = arith.index_cast %parallel_loop3A_140 : i32 to index
        %parallel_loop3A_219 = arith.index_cast %parallel_loop3A_217 : i32 to index
        %parallel_loop3A_220 = arith.index_cast %parallel_loop3A_142 : i32 to index
        %parallel_loop3A_221 = arith.constant 80 : index
        %parallel_loop3A_222 = tpu.vector_load %arg9[%parallel_loop3A_218, %parallel_loop3A_219, %parallel_loop3A_220, %parallel_loop3A_221] {strides = array<i32>} : memref<8x1x8x128xf32, #tpu.memory_space<vmem>>, vector<16xf32>,
        tpu.vector_store %arg9[%parallel_loop3A_218, %parallel_loop3A_219, %parallel_loop3A_220, %parallel_loop3A_221], %parallel_loop3A_216 {strides = array<i32>} : memref<8x1x8x128xf32, #tpu.memory_space<vmem>>, vector<16xf32>,
        %parallel_loop3A_223 = arith.constant 96 : i32
        %parallel_loop3A_224 = arith.addi %parallel_loop3A_144, %parallel_loop3A_223 : i32
        %parallel_loop3A_225 = arith.index_cast %parallel_loop3A_224 : i32 to index
        %parallel_loop3A_226 = tpu.vector_load %arg8[%parallel_loop3A_225] {strides = array<i32>} : memref<8256xf32, #tpu.memory_space<vmem>>, vector<16xf32>,
        %parallel_loop3A_227 = arith.constant 8.000000e+00 : f32
        %parallel_loop3A_228 = vector.broadcast %parallel_loop3A_227 : f32 to vector<16xf32>
        %parallel_loop3A_229 = arith.mulf %parallel_loop3A_226, %parallel_loop3A_228 : vector<16xf32>
        %parallel_loop3A_230 = arith.constant 0 : i32
        %parallel_loop3A_231 = arith.index_cast %parallel_loop3A_140 : i32 to index
        %parallel_loop3A_232 = arith.index_cast %parallel_loop3A_230 : i32 to index
        %parallel_loop3A_233 = arith.index_cast %parallel_loop3A_142 : i32 to index
        %parallel_loop3A_234 = arith.constant 96 : index
        %parallel_loop3A_235 = tpu.vector_load %arg9[%parallel_loop3A_231, %parallel_loop3A_232, %parallel_loop3A_233, %parallel_loop3A_234] {strides = array<i32>} : memref<8x1x8x128xf32, #tpu.memory_space<vmem>>, vector<16xf32>,
        tpu.vector_store %arg9[%parallel_loop3A_231, %parallel_loop3A_232, %parallel_loop3A_233, %parallel_loop3A_234], %parallel_loop3A_229 {strides = array<i32>} : memref<8x1x8x128xf32, #tpu.memory_space<vmem>>, vector<16xf32>,
        %parallel_loop3A_236 = arith.constant 112 : i32
        %parallel_loop3A_237 = arith.addi %parallel_loop3A_144, %parallel_loop3A_236 : i32
        %parallel_loop3A_238 = arith.index_cast %parallel_loop3A_237 : i32 to index
        %parallel_loop3A_239 = tpu.vector_load %arg8[%parallel_loop3A_238] {strides = array<i32>} : memref<8256xf32, #tpu.memory_space<vmem>>, vector<16xf32>,
        %parallel_loop3A_240 = arith.constant 8.000000e+00 : f32
        %parallel_loop3A_241 = vector.broadcast %parallel_loop3A_240 : f32 to vector<16xf32>
        %parallel_loop3A_242 = arith.mulf %parallel_loop3A_239, %parallel_loop3A_241 : vector<16xf32>
        %parallel_loop3A_243 = arith.constant 0 : i32
        %parallel_loop3A_244 = arith.index_cast %parallel_loop3A_140 : i32 to index
        %parallel_loop3A_245 = arith.index_cast %parallel_loop3A_243 : i32 to index
        %parallel_loop3A_246 = arith.index_cast %parallel_loop3A_142 : i32 to index
        %parallel_loop3A_247 = arith.constant 112 : index
        %parallel_loop3A_248 = tpu.vector_load %arg9[%parallel_loop3A_244, %parallel_loop3A_245, %parallel_loop3A_246, %parallel_loop3A_247] {strides = array<i32>} : memref<8x1x8x128xf32, #tpu.memory_space<vmem>>, vector<16xf32>,
        tpu.vector_store %arg9[%parallel_loop3A_244, %parallel_loop3A_245, %parallel_loop3A_246, %parallel_loop3A_247], %parallel_loop3A_242 {strides = array<i32>} : memref<8x1x8x128xf32, #tpu.memory_space<vmem>>, vector<16xf32>,
      } {sc.loop_unroll_factor = 4 : i64, sc.parallel_access}
      %dma_start3A_84 = arith.constant 0 : i32
      %dma_start3A_85 = arith.constant 0 : i32
      %dma_start3A_86 = arith.constant 0 : i32
      %dma_start3A_87 = tpu.memref_slice %arg4[%add3A_70, %dma_start3A_84, %add3A, %dma_start3A_85, %dma_start3A_86] : memref<200x8x32x8x128xf32, #tpu.memory_space<hbm>> -> memref<1x8x1x8x128xf32, #tpu.memory_space<hbm>>
      %dma_start3A_88 = tpu.memref_squeeze %dma_start3A_87 : memref<1x8x1x8x128xf32, #tpu.memory_space<hbm>> -> memref<8x1x8x128xf32, #tpu.memory_space<hbm>>
      %dma_start3A_89 = arith.constant 0 : i32
      %dma_start3A_90 = arith.constant 0 : i32
      %dma_start3A_91 = arith.constant 0 : i32
      %dma_start3A_92 = tpu.memref_slice %arg4[%add3A_70, %dma_start3A_89, %add3A, %dma_start3A_90, %dma_start3A_91] : memref<200x8x32x8x128xf32, #tpu.memory_space<hbm>> -> memref<1x8x1x8x128xf32, #tpu.memory_space<hbm>>
      %dma_start3A_93 = tpu.memref_squeeze %dma_start3A_92 : memref<1x8x1x8x128xf32, #tpu.memory_space<hbm>> -> memref<8x1x8x128xf32, #tpu.memory_space<hbm>>
      tpu.enqueue_dma source(%arg9 : memref<8x1x8x128xf32, #tpu.memory_space<vmem>>) target(%dma_start3A_93 : memref<8x1x8x128xf32, #tpu.memory_space<hbm>>) target_semaphore(%arg13 : memref<!tpu.dma_semaphore, #tpu.memory_space<semaphore_mem>>)
      %add3A_94 = arith.constant 2 : i32
      %add3A_95 = arith.addi %add3A_70, %add3A_94 : i32
      %lt3A = arith.constant 200 : i32
      %lt3A_96 = arith.cmpi slt, %add3A_95, %lt3A : i32
      %convert_element_type3A_97 = arith.extui %lt3A_96 : i1 to i32
      %cond3A_98 = arith.constant 0 : i32
      %cond3A_99 = arith.cmpi ne, %convert_element_type3A_97, %cond3A_98 : i32
      scf.if %cond3A_99 {
        %add3A_138 = arith.constant 2 : i32
        %add3A_139 = arith.addi %add3A_70, %add3A_138 : i32
        %dma_start3A_140 = arith.constant 0 : i32
        %dma_start3A_141 = tpu.memref_slice %arg5[%add3A_139, %dma_start3A_140] : memref<200x128xi32, #tpu.memory_space<vmem>> -> memref<1x128xi32, #tpu.memory_space<vmem>>
        %dma_start3A_142 = tpu.memref_squeeze %dma_start3A_141 : memref<1x128xi32, #tpu.memory_space<vmem>> -> memref<128xi32, #tpu.memory_space<vmem>>
        %dma_start3A_143 = arith.constant 0 : i32
        %dma_start3A_144 = arith.constant 0 : i32
        %dma_start3A_145 = tpu.memref_slice %arg2[%dma_start3A_143, %dma_start3A_144] : memref<1000000x64xf32, #tpu.memory_space<hbm>> -> memref<1000000x64xf32, #tpu.memory_space<hbm>>
        tpu.enqueue_indirect_dma source(%dma_start3A_145 : memref<1000000x64xf32, #tpu.memory_space<hbm>>) target(%arg6 : memref<128x64xf32, #tpu.memory_space<vmem>>) offsets(%dma_start3A_142 : memref<128xi32, #tpu.memory_space<vmem>>) semaphore(%arg11 : memref<!tpu.dma_semaphore, #tpu.memory_space<semaphore_mem>>)
      } else {
      }
      %mul3A_100 = arith.constant 2 : i32
      %mul3A_101 = arith.muli %scan3A_66, %mul3A_100 : i32
      %add3A_102 = arith.constant 1 : i32
      %add3A_103 = arith.addi %mul3A_101, %add3A_102 : i32
      %dma_wait3A_104 = arith.constant 0 : i32
      %dma_wait3A_105 = tpu.memref_slice %arg5[%add3A_103, %dma_wait3A_104] : memref<200x128xi32, #tpu.memory_space<vmem>> -> memref<1x128xi32, #tpu.memory_space<vmem>>
      %dma_wait3A_106 = tpu.memref_squeeze %dma_wait3A_105 : memref<1x128xi32, #tpu.memory_space<vmem>> -> memref<128xi32, #tpu.memory_space<vmem>>
      %dma_wait3A_107 = arith.constant 0 : i32
      %dma_wait3A_108 = arith.constant 0 : i32
      %dma_wait3A_109 = tpu.memref_slice %arg2[%dma_wait3A_107, %dma_wait3A_108] : memref<1000000x64xf32, #tpu.memory_space<hbm>> -> memref<1000000x64xf32, #tpu.memory_space<hbm>>
      tpu.wait_indirect_dma semaphore(%arg12 : memref<!tpu.dma_semaphore, #tpu.memory_space<semaphore_mem>>) src(%dma_wait3A_109 : memref<1000000x64xf32, #tpu.memory_space<hbm>>) dst(%arg7 : memref<128x64xf32, #tpu.memory_space<vmem>>)
      %ge3A_110 = arith.constant 2 : i32
      %ge3A_111 = arith.cmpi sge, %add3A_103, %ge3A_110 : i32
      %convert_element_type3A_112 = arith.extui %ge3A_111 : i1 to i32
      %cond3A_113 = arith.constant 0 : i32
      %cond3A_114 = arith.cmpi ne, %convert_element_type3A_112, %cond3A_113 : i32
      scf.if %cond3A_114 {
        %sub3A = arith.constant 2 : i32
        %sub3A_138 = arith.subi %add3A_103, %sub3A : i32
        %dma_wait3A_139 = arith.constant 0 : i32
        %dma_wait3A_140 = arith.constant 0 : i32
        %dma_wait3A_141 = arith.constant 0 : i32
        %dma_wait3A_142 = tpu.memref_slice %arg4[%sub3A_138, %dma_wait3A_139, %add3A, %dma_wait3A_140, %dma_wait3A_141] : memref<200x8x32x8x128xf32, #tpu.memory_space<hbm>> -> memref<1x8x1x8x128xf32, #tpu.memory_space<hbm>>
        %dma_wait3A_143 = tpu.memref_squeeze %dma_wait3A_142 : memref<1x8x1x8x128xf32, #tpu.memory_space<hbm>> -> memref<8x1x8x128xf32, #tpu.memory_space<hbm>>
        %dma_wait3A_144 = arith.constant 0 : i32
        %dma_wait3A_145 = arith.constant 0 : i32
        %dma_wait3A_146 = arith.constant 0 : i32
        %dma_wait3A_147 = tpu.memref_slice %arg4[%sub3A_138, %dma_wait3A_144, %add3A, %dma_wait3A_145, %dma_wait3A_146] : memref<200x8x32x8x128xf32, #tpu.memory_space<hbm>> -> memref<1x8x1x8x128xf32, #tpu.memory_space<hbm>>
        %dma_wait3A_148 = tpu.memref_squeeze %dma_wait3A_147 : memref<1x8x1x8x128xf32, #tpu.memory_space<hbm>> -> memref<8x1x8x128xf32, #tpu.memory_space<hbm>>
        tpu.wait_dma2 semaphore(%arg14 : memref<!tpu.dma_semaphore, #tpu.memory_space<semaphore_mem>>) src(%arg10 : memref<8x1x8x128xf32, #tpu.memory_space<vmem>>) dst(%dma_wait3A_148 : memref<8x1x8x128xf32, #tpu.memory_space<hbm>>)
      } else {
      }
      %parallel_loop3A_115 = arith.constant 0 : i32
      %parallel_loop3A_116 = arith.constant 128 : i32
      %parallel_loop3A_117 = arith.constant 1 : i32
      scf.for %parallel_loop3A_138 = %parallel_loop3A_115 to %parallel_loop3A_116 step %parallel_loop3A_117  : i32 {
        %parallel_loop3A_139 = arith.index_cast %parallel_loop3A_138 : i32 to index
        %parallel_loop3A_140 = arith.constant 0 : index
        %parallel_loop3A_141 = tpu.vector_load %arg7[%parallel_loop3A_139, %parallel_loop3A_140] {strides = array<i32>} : memref<128x64xf32, #tpu.memory_space<vmem>>, vector<16xf32>,
        %parallel_loop3A_142 = vector.broadcast %parallel_loop3A_138 : i32 to vector<16xi32>
        %parallel_loop3A_143 = arith.addi %mul3A_8, %parallel_loop3A_142 : vector<16xi32>
        tpu.vector_store_idx %arg8[%parallel_loop3A_143], %parallel_loop3A_141 : memref<8256xf32, #tpu.memory_space<vmem>>[vector<16xi32>], vector<16xf32>,
        %parallel_loop3A_144 = arith.index_cast %parallel_loop3A_138 : i32 to index
        %parallel_loop3A_145 = arith.constant 16 : index
        %parallel_loop3A_146 = tpu.vector_load %arg7[%parallel_loop3A_144, %parallel_loop3A_145] {strides = array<i32>} : memref<128x64xf32, #tpu.memory_space<vmem>>, vector<16xf32>,
        %parallel_loop3A_147 = vector.broadcast %parallel_loop3A_138 : i32 to vector<16xi32>
        %parallel_loop3A_148 = arith.addi %mul3A_14, %parallel_loop3A_147 : vector<16xi32>
        tpu.vector_store_idx %arg8[%parallel_loop3A_148], %parallel_loop3A_146 : memref<8256xf32, #tpu.memory_space<vmem>>[vector<16xi32>], vector<16xf32>,
        %parallel_loop3A_149 = arith.index_cast %parallel_loop3A_138 : i32 to index
        %parallel_loop3A_150 = arith.constant 32 : index
        %parallel_loop3A_151 = tpu.vector_load %arg7[%parallel_loop3A_149, %parallel_loop3A_150] {strides = array<i32>} : memref<128x64xf32, #tpu.memory_space<vmem>>, vector<16xf32>,
        %parallel_loop3A_152 = vector.broadcast %parallel_loop3A_138 : i32 to vector<16xi32>
        %parallel_loop3A_153 = arith.addi %mul3A_20, %parallel_loop3A_152 : vector<16xi32>
        tpu.vector_store_idx %arg8[%parallel_loop3A_153], %parallel_loop3A_151 : memref<8256xf32, #tpu.memory_space<vmem>>[vector<16xi32>], vector<16xf32>,
        %parallel_loop3A_154 = arith.index_cast %parallel_loop3A_138 : i32 to index
        %parallel_loop3A_155 = arith.constant 48 : index
        %parallel_loop3A_156 = tpu.vector_load %arg7[%parallel_loop3A_154, %parallel_loop3A_155] {strides = array<i32>} : memref<128x64xf32, #tpu.memory_space<vmem>>, vector<16xf32>,
        %parallel_loop3A_157 = vector.broadcast %parallel_loop3A_138 : i32 to vector<16xi32>
        %parallel_loop3A_158 = arith.addi %mul3A_26, %parallel_loop3A_157 : vector<16xi32>
        tpu.vector_store_idx %arg8[%parallel_loop3A_158], %parallel_loop3A_156 : memref<8256xf32, #tpu.memory_space<vmem>>[vector<16xi32>], vector<16xf32>,
      } {sc.loop_unroll_factor = 4 : i64, sc.parallel_access}
      %parallel_loop3A_118 = arith.constant 0 : i32
      %parallel_loop3A_119 = arith.constant 64 : i32
      %parallel_loop3A_120 = arith.constant 1 : i32
      scf.for %parallel_loop3A_138 = %parallel_loop3A_118 to %parallel_loop3A_119 step %parallel_loop3A_120  : i32 {
        %parallel_loop3A_139 = arith.constant 3 : i32
        %parallel_loop3A_140 = arith.shrui %parallel_loop3A_138, %parallel_loop3A_139 : i32
        %parallel_loop3A_141 = arith.constant 7 : i32
        %parallel_loop3A_142 = arith.andi %parallel_loop3A_138, %parallel_loop3A_141 : i32
        %parallel_loop3A_143 = arith.constant 129 : i32
        %parallel_loop3A_144 = arith.muli %parallel_loop3A_138, %parallel_loop3A_143 : i32
        %parallel_loop3A_145 = arith.constant 0 : i32
        %parallel_loop3A_146 = arith.addi %parallel_loop3A_144, %parallel_loop3A_145 : i32
        %parallel_loop3A_147 = arith.index_cast %parallel_loop3A_146 : i32 to index
        %parallel_loop3A_148 = tpu.vector_load %arg8[%parallel_loop3A_147] {strides = array<i32>} : memref<8256xf32, #tpu.memory_space<vmem>>, vector<16xf32>,
        %parallel_loop3A_149 = arith.constant 8.000000e+00 : f32
        %parallel_loop3A_150 = vector.broadcast %parallel_loop3A_149 : f32 to vector<16xf32>
        %parallel_loop3A_151 = arith.mulf %parallel_loop3A_148, %parallel_loop3A_150 : vector<16xf32>
        %parallel_loop3A_152 = arith.constant 0 : i32
        %parallel_loop3A_153 = arith.index_cast %parallel_loop3A_140 : i32 to index
        %parallel_loop3A_154 = arith.index_cast %parallel_loop3A_152 : i32 to index
        %parallel_loop3A_155 = arith.index_cast %parallel_loop3A_142 : i32 to index
        %parallel_loop3A_156 = arith.constant 0 : index
        %parallel_loop3A_157 = tpu.vector_load %arg10[%parallel_loop3A_153, %parallel_loop3A_154, %parallel_loop3A_155, %parallel_loop3A_156] {strides = array<i32>} : memref<8x1x8x128xf32, #tpu.memory_space<vmem>>, vector<16xf32>,
        tpu.vector_store %arg10[%parallel_loop3A_153, %parallel_loop3A_154, %parallel_loop3A_155, %parallel_loop3A_156], %parallel_loop3A_151 {strides = array<i32>} : memref<8x1x8x128xf32, #tpu.memory_space<vmem>>, vector<16xf32>,
        %parallel_loop3A_158 = arith.constant 16 : i32
        %parallel_loop3A_159 = arith.addi %parallel_loop3A_144, %parallel_loop3A_158 : i32
        %parallel_loop3A_160 = arith.index_cast %parallel_loop3A_159 : i32 to index
        %parallel_loop3A_161 = tpu.vector_load %arg8[%parallel_loop3A_160] {strides = array<i32>} : memref<8256xf32, #tpu.memory_space<vmem>>, vector<16xf32>,
        %parallel_loop3A_162 = arith.constant 8.000000e+00 : f32
        %parallel_loop3A_163 = vector.broadcast %parallel_loop3A_162 : f32 to vector<16xf32>
        %parallel_loop3A_164 = arith.mulf %parallel_loop3A_161, %parallel_loop3A_163 : vector<16xf32>
        %parallel_loop3A_165 = arith.constant 0 : i32
        %parallel_loop3A_166 = arith.index_cast %parallel_loop3A_140 : i32 to index
        %parallel_loop3A_167 = arith.index_cast %parallel_loop3A_165 : i32 to index
        %parallel_loop3A_168 = arith.index_cast %parallel_loop3A_142 : i32 to index
        %parallel_loop3A_169 = arith.constant 16 : index
        %parallel_loop3A_170 = tpu.vector_load %arg10[%parallel_loop3A_166, %parallel_loop3A_167, %parallel_loop3A_168, %parallel_loop3A_169] {strides = array<i32>} : memref<8x1x8x128xf32, #tpu.memory_space<vmem>>, vector<16xf32>,
        tpu.vector_store %arg10[%parallel_loop3A_166, %parallel_loop3A_167, %parallel_loop3A_168, %parallel_loop3A_169], %parallel_loop3A_164 {strides = array<i32>} : memref<8x1x8x128xf32, #tpu.memory_space<vmem>>, vector<16xf32>,
        %parallel_loop3A_171 = arith.constant 32 : i32
        %parallel_loop3A_172 = arith.addi %parallel_loop3A_144, %parallel_loop3A_171 : i32
        %parallel_loop3A_173 = arith.index_cast %parallel_loop3A_172 : i32 to index
        %parallel_loop3A_174 = tpu.vector_load %arg8[%parallel_loop3A_173] {strides = array<i32>} : memref<8256xf32, #tpu.memory_space<vmem>>, vector<16xf32>,
        %parallel_loop3A_175 = arith.constant 8.000000e+00 : f32
        %parallel_loop3A_176 = vector.broadcast %parallel_loop3A_175 : f32 to vector<16xf32>
        %parallel_loop3A_177 = arith.mulf %parallel_loop3A_174, %parallel_loop3A_176 : vector<16xf32>
        %parallel_loop3A_178 = arith.constant 0 : i32
        %parallel_loop3A_179 = arith.index_cast %parallel_loop3A_140 : i32 to index
        %parallel_loop3A_180 = arith.index_cast %parallel_loop3A_178 : i32 to index
        %parallel_loop3A_181 = arith.index_cast %parallel_loop3A_142 : i32 to index
        %parallel_loop3A_182 = arith.constant 32 : index
        %parallel_loop3A_183 = tpu.vector_load %arg10[%parallel_loop3A_179, %parallel_loop3A_180, %parallel_loop3A_181, %parallel_loop3A_182] {strides = array<i32>} : memref<8x1x8x128xf32, #tpu.memory_space<vmem>>, vector<16xf32>,
        tpu.vector_store %arg10[%parallel_loop3A_179, %parallel_loop3A_180, %parallel_loop3A_181, %parallel_loop3A_182], %parallel_loop3A_177 {strides = array<i32>} : memref<8x1x8x128xf32, #tpu.memory_space<vmem>>, vector<16xf32>,
        %parallel_loop3A_184 = arith.constant 48 : i32
        %parallel_loop3A_185 = arith.addi %parallel_loop3A_144, %parallel_loop3A_184 : i32
        %parallel_loop3A_186 = arith.index_cast %parallel_loop3A_185 : i32 to index
        %parallel_loop3A_187 = tpu.vector_load %arg8[%parallel_loop3A_186] {strides = array<i32>} : memref<8256xf32, #tpu.memory_space<vmem>>, vector<16xf32>,
        %parallel_loop3A_188 = arith.constant 8.000000e+00 : f32
        %parallel_loop3A_189 = vector.broadcast %parallel_loop3A_188 : f32 to vector<16xf32>
        %parallel_loop3A_190 = arith.mulf %parallel_loop3A_187, %parallel_loop3A_189 : vector<16xf32>
        %parallel_loop3A_191 = arith.constant 0 : i32
        %parallel_loop3A_192 = arith.index_cast %parallel_loop3A_140 : i32 to index
        %parallel_loop3A_193 = arith.index_cast %parallel_loop3A_191 : i32 to index
        %parallel_loop3A_194 = arith.index_cast %parallel_loop3A_142 : i32 to index
        %parallel_loop3A_195 = arith.constant 48 : index
        %parallel_loop3A_196 = tpu.vector_load %arg10[%parallel_loop3A_192, %parallel_loop3A_193, %parallel_loop3A_194, %parallel_loop3A_195] {strides = array<i32>} : memref<8x1x8x128xf32, #tpu.memory_space<vmem>>, vector<16xf32>,
        tpu.vector_store %arg10[%parallel_loop3A_192, %parallel_loop3A_193, %parallel_loop3A_194, %parallel_loop3A_195], %parallel_loop3A_190 {strides = array<i32>} : memref<8x1x8x128xf32, #tpu.memory_space<vmem>>, vector<16xf32>,
        %parallel_loop3A_197 = arith.constant 64 : i32
        %parallel_loop3A_198 = arith.addi %parallel_loop3A_144, %parallel_loop3A_197 : i32
        %parallel_loop3A_199 = arith.index_cast %parallel_loop3A_198 : i32 to index
        %parallel_loop3A_200 = tpu.vector_load %arg8[%parallel_loop3A_199] {strides = array<i32>} : memref<8256xf32, #tpu.memory_space<vmem>>, vector<16xf32>,
        %parallel_loop3A_201 = arith.constant 8.000000e+00 : f32
        %parallel_loop3A_202 = vector.broadcast %parallel_loop3A_201 : f32 to vector<16xf32>
        %parallel_loop3A_203 = arith.mulf %parallel_loop3A_200, %parallel_loop3A_202 : vector<16xf32>
        %parallel_loop3A_204 = arith.constant 0 : i32
        %parallel_loop3A_205 = arith.index_cast %parallel_loop3A_140 : i32 to index
        %parallel_loop3A_206 = arith.index_cast %parallel_loop3A_204 : i32 to index
        %parallel_loop3A_207 = arith.index_cast %parallel_loop3A_142 : i32 to index
        %parallel_loop3A_208 = arith.constant 64 : index
        %parallel_loop3A_209 = tpu.vector_load %arg10[%parallel_loop3A_205, %parallel_loop3A_206, %parallel_loop3A_207, %parallel_loop3A_208] {strides = array<i32>} : memref<8x1x8x128xf32, #tpu.memory_space<vmem>>, vector<16xf32>,
        tpu.vector_store %arg10[%parallel_loop3A_205, %parallel_loop3A_206, %parallel_loop3A_207, %parallel_loop3A_208], %parallel_loop3A_203 {strides = array<i32>} : memref<8x1x8x128xf32, #tpu.memory_space<vmem>>, vector<16xf32>,
        %parallel_loop3A_210 = arith.constant 80 : i32
        %parallel_loop3A_211 = arith.addi %parallel_loop3A_144, %parallel_loop3A_210 : i32
        %parallel_loop3A_212 = arith.index_cast %parallel_loop3A_211 : i32 to index
        %parallel_loop3A_213 = tpu.vector_load %arg8[%parallel_loop3A_212] {strides = array<i32>} : memref<8256xf32, #tpu.memory_space<vmem>>, vector<16xf32>,
        %parallel_loop3A_214 = arith.constant 8.000000e+00 : f32
        %parallel_loop3A_215 = vector.broadcast %parallel_loop3A_214 : f32 to vector<16xf32>
        %parallel_loop3A_216 = arith.mulf %parallel_loop3A_213, %parallel_loop3A_215 : vector<16xf32>
        %parallel_loop3A_217 = arith.constant 0 : i32
        %parallel_loop3A_218 = arith.index_cast %parallel_loop3A_140 : i32 to index
        %parallel_loop3A_219 = arith.index_cast %parallel_loop3A_217 : i32 to index
        %parallel_loop3A_220 = arith.index_cast %parallel_loop3A_142 : i32 to index
        %parallel_loop3A_221 = arith.constant 80 : index
        %parallel_loop3A_222 = tpu.vector_load %arg10[%parallel_loop3A_218, %parallel_loop3A_219, %parallel_loop3A_220, %parallel_loop3A_221] {strides = array<i32>} : memref<8x1x8x128xf32, #tpu.memory_space<vmem>>, vector<16xf32>,
        tpu.vector_store %arg10[%parallel_loop3A_218, %parallel_loop3A_219, %parallel_loop3A_220, %parallel_loop3A_221], %parallel_loop3A_216 {strides = array<i32>} : memref<8x1x8x128xf32, #tpu.memory_space<vmem>>, vector<16xf32>,
        %parallel_loop3A_223 = arith.constant 96 : i32
        %parallel_loop3A_224 = arith.addi %parallel_loop3A_144, %parallel_loop3A_223 : i32
        %parallel_loop3A_225 = arith.index_cast %parallel_loop3A_224 : i32 to index
        %parallel_loop3A_226 = tpu.vector_load %arg8[%parallel_loop3A_225] {strides = array<i32>} : memref<8256xf32, #tpu.memory_space<vmem>>, vector<16xf32>,
        %parallel_loop3A_227 = arith.constant 8.000000e+00 : f32
        %parallel_loop3A_228 = vector.broadcast %parallel_loop3A_227 : f32 to vector<16xf32>
        %parallel_loop3A_229 = arith.mulf %parallel_loop3A_226, %parallel_loop3A_228 : vector<16xf32>
        %parallel_loop3A_230 = arith.constant 0 : i32
        %parallel_loop3A_231 = arith.index_cast %parallel_loop3A_140 : i32 to index
        %parallel_loop3A_232 = arith.index_cast %parallel_loop3A_230 : i32 to index
        %parallel_loop3A_233 = arith.index_cast %parallel_loop3A_142 : i32 to index
        %parallel_loop3A_234 = arith.constant 96 : index
        %parallel_loop3A_235 = tpu.vector_load %arg10[%parallel_loop3A_231, %parallel_loop3A_232, %parallel_loop3A_233, %parallel_loop3A_234] {strides = array<i32>} : memref<8x1x8x128xf32, #tpu.memory_space<vmem>>, vector<16xf32>,
        tpu.vector_store %arg10[%parallel_loop3A_231, %parallel_loop3A_232, %parallel_loop3A_233, %parallel_loop3A_234], %parallel_loop3A_229 {strides = array<i32>} : memref<8x1x8x128xf32, #tpu.memory_space<vmem>>, vector<16xf32>,
        %parallel_loop3A_236 = arith.constant 112 : i32
        %parallel_loop3A_237 = arith.addi %parallel_loop3A_144, %parallel_loop3A_236 : i32
        %parallel_loop3A_238 = arith.index_cast %parallel_loop3A_237 : i32 to index
        %parallel_loop3A_239 = tpu.vector_load %arg8[%parallel_loop3A_238] {strides = array<i32>} : memref<8256xf32, #tpu.memory_space<vmem>>, vector<16xf32>,
        %parallel_loop3A_240 = arith.constant 8.000000e+00 : f32
        %parallel_loop3A_241 = vector.broadcast %parallel_loop3A_240 : f32 to vector<16xf32>
        %parallel_loop3A_242 = arith.mulf %parallel_loop3A_239, %parallel_loop3A_241 : vector<16xf32>
        %parallel_loop3A_243 = arith.constant 0 : i32
        %parallel_loop3A_244 = arith.index_cast %parallel_loop3A_140 : i32 to index
        %parallel_loop3A_245 = arith.index_cast %parallel_loop3A_243 : i32 to index
        %parallel_loop3A_246 = arith.index_cast %parallel_loop3A_142 : i32 to index
        %parallel_loop3A_247 = arith.constant 112 : index
        %parallel_loop3A_248 = tpu.vector_load %arg10[%parallel_loop3A_244, %parallel_loop3A_245, %parallel_loop3A_246, %parallel_loop3A_247] {strides = array<i32>} : memref<8x1x8x128xf32, #tpu.memory_space<vmem>>, vector<16xf32>,
        tpu.vector_store %arg10[%parallel_loop3A_244, %parallel_loop3A_245, %parallel_loop3A_246, %parallel_loop3A_247], %parallel_loop3A_242 {strides = array<i32>} : memref<8x1x8x128xf32, #tpu.memory_space<vmem>>, vector<16xf32>,
      } {sc.loop_unroll_factor = 4 : i64, sc.parallel_access}
      %dma_start3A_121 = arith.constant 0 : i32
      %dma_start3A_122 = arith.constant 0 : i32
      %dma_start3A_123 = arith.constant 0 : i32
      %dma_start3A_124 = tpu.memref_slice %arg4[%add3A_103, %dma_start3A_121, %add3A, %dma_start3A_122, %dma_start3A_123] : memref<200x8x32x8x128xf32, #tpu.memory_space<hbm>> -> memref<1x8x1x8x128xf32, #tpu.memory_space<hbm>>
      %dma_start3A_125 = tpu.memref_squeeze %dma_start3A_124 : memref<1x8x1x8x128xf32, #tpu.memory_space<hbm>> -> memref<8x1x8x128xf32, #tpu.memory_space<hbm>>
      %dma_start3A_126 = arith.constant 0 : i32
      %dma_start3A_127 = arith.constant 0 : i32
      %dma_start3A_128 = arith.constant 0 : i32
      %dma_start3A_129 = tpu.memref_slice %arg4[%add3A_103, %dma_start3A_126, %add3A, %dma_start3A_127, %dma_start3A_128] : memref<200x8x32x8x128xf32, #tpu.memory_space<hbm>> -> memref<1x8x1x8x128xf32, #tpu.memory_space<hbm>>
      %dma_start3A_130 = tpu.memref_squeeze %dma_start3A_129 : memref<1x8x1x8x128xf32, #tpu.memory_space<hbm>> -> memref<8x1x8x128xf32, #tpu.memory_space<hbm>>
      tpu.enqueue_dma source(%arg10 : memref<8x1x8x128xf32, #tpu.memory_space<vmem>>) target(%dma_start3A_130 : memref<8x1x8x128xf32, #tpu.memory_space<hbm>>) target_semaphore(%arg14 : memref<!tpu.dma_semaphore, #tpu.memory_space<semaphore_mem>>)
      %add3A_131 = arith.constant 2 : i32
      %add3A_132 = arith.addi %add3A_103, %add3A_131 : i32
      %lt3A_133 = arith.constant 200 : i32
      %lt3A_134 = arith.cmpi slt, %add3A_132, %lt3A_133 : i32
      %convert_element_type3A_135 = arith.extui %lt3A_134 : i1 to i32
      %cond3A_136 = arith.constant 0 : i32
      %cond3A_137 = arith.cmpi ne, %convert_element_type3A_135, %cond3A_136 : i32
      scf.if %cond3A_137 {
        %add3A_138 = arith.constant 2 : i32
        %add3A_139 = arith.addi %add3A_103, %add3A_138 : i32
        %dma_start3A_140 = arith.constant 0 : i32
        %dma_start3A_141 = tpu.memref_slice %arg5[%add3A_139, %dma_start3A_140] : memref<200x128xi32, #tpu.memory_space<vmem>> -> memref<1x128xi32, #tpu.memory_space<vmem>>
        %dma_start3A_142 = tpu.memref_squeeze %dma_start3A_141 : memref<1x128xi32, #tpu.memory_space<vmem>> -> memref<128xi32, #tpu.memory_space<vmem>>
        %dma_start3A_143 = arith.constant 0 : i32
        %dma_start3A_144 = arith.constant 0 : i32
        %dma_start3A_145 = tpu.memref_slice %arg2[%dma_start3A_143, %dma_start3A_144] : memref<1000000x64xf32, #tpu.memory_space<hbm>> -> memref<1000000x64xf32, #tpu.memory_space<hbm>>
        tpu.enqueue_indirect_dma source(%dma_start3A_145 : memref<1000000x64xf32, #tpu.memory_space<hbm>>) target(%arg7 : memref<128x64xf32, #tpu.memory_space<vmem>>) offsets(%dma_start3A_142 : memref<128xi32, #tpu.memory_space<vmem>>) semaphore(%arg12 : memref<!tpu.dma_semaphore, #tpu.memory_space<semaphore_mem>>)
      } else {
      }
    }
    %scan3A_44 = arith.constant 100 : i32
    %dma_wait3A = arith.constant 198 : i32
    %dma_wait3A_45 = arith.constant 0 : i32
    %dma_wait3A_46 = arith.constant 0 : i32
    %dma_wait3A_47 = arith.constant 0 : i32
    %dma_wait3A_48 = tpu.memref_slice %arg4[%dma_wait3A, %dma_wait3A_45, %add3A, %dma_wait3A_46, %dma_wait3A_47] : memref<200x8x32x8x128xf32, #tpu.memory_space<hbm>> -> memref<1x8x1x8x128xf32, #tpu.memory_space<hbm>>
    %dma_wait3A_49 = tpu.memref_squeeze %dma_wait3A_48 : memref<1x8x1x8x128xf32, #tpu.memory_space<hbm>> -> memref<8x1x8x128xf32, #tpu.memory_space<hbm>>
    %dma_wait3A_50 = arith.constant 0 : i32
    %dma_wait3A_51 = arith.constant 0 : i32
    %dma_wait3A_52 = arith.constant 0 : i32
    %dma_wait3A_53 = tpu.memref_slice %arg4[%dma_wait3A, %dma_wait3A_50, %add3A, %dma_wait3A_51, %dma_wait3A_52] : memref<200x8x32x8x128xf32, #tpu.memory_space<hbm>> -> memref<1x8x1x8x128xf32, #tpu.memory_space<hbm>>
    %dma_wait3A_54 = tpu.memref_squeeze %dma_wait3A_53 : memref<1x8x1x8x128xf32, #tpu.memory_space<hbm>> -> memref<8x1x8x128xf32, #tpu.memory_space<hbm>>
    tpu.wait_dma2 semaphore(%arg13 : memref<!tpu.dma_semaphore, #tpu.memory_space<semaphore_mem>>) src(%arg9 : memref<8x1x8x128xf32, #tpu.memory_space<vmem>>) dst(%dma_wait3A_54 : memref<8x1x8x128xf32, #tpu.memory_space<hbm>>)
    %dma_wait3A_55 = arith.constant 199 : i32
    %dma_wait3A_56 = arith.constant 0 : i32
    %dma_wait3A_57 = arith.constant 0 : i32
    %dma_wait3A_58 = arith.constant 0 : i32
    %dma_wait3A_59 = tpu.memref_slice %arg4[%dma_wait3A_55, %dma_wait3A_56, %add3A, %dma_wait3A_57, %dma_wait3A_58] : memref<200x8x32x8x128xf32, #tpu.memory_space<hbm>> -> memref<1x8x1x8x128xf32, #tpu.memory_space<hbm>>
    %dma_wait3A_60 = tpu.memref_squeeze %dma_wait3A_59 : memref<1x8x1x8x128xf32, #tpu.memory_space<hbm>> -> memref<8x1x8x128xf32, #tpu.memory_space<hbm>>
    %dma_wait3A_61 = arith.constant 0 : i32
    %dma_wait3A_62 = arith.constant 0 : i32
    %dma_wait3A_63 = arith.constant 0 : i32
    %dma_wait3A_64 = tpu.memref_slice %arg4[%dma_wait3A_55, %dma_wait3A_61, %add3A, %dma_wait3A_62, %dma_wait3A_63] : memref<200x8x32x8x128xf32, #tpu.memory_space<hbm>> -> memref<1x8x1x8x128xf32, #tpu.memory_space<hbm>>
    %dma_wait3A_65 = tpu.memref_squeeze %dma_wait3A_64 : memref<1x8x1x8x128xf32, #tpu.memory_space<hbm>> -> memref<8x1x8x128xf32, #tpu.memory_space<hbm>>
    tpu.wait_dma2 semaphore(%arg14 : memref<!tpu.dma_semaphore, #tpu.memory_space<semaphore_mem>>) src(%arg10 : memref<8x1x8x128xf32, #tpu.memory_space<vmem>>) dst(%dma_wait3A_65 : memref<8x1x8x128xf32, #tpu.memory_space<hbm>>)
    return
  }
}

</mosaic_0001>

<sc_bundles>
// kernel: emb_gather_sc.3.cloned.1.call-start
scs
__scs_entry_jumppad:
0x0: {  	(pc) =	sbr.rel $0x88, $3  }
0x1: {  	(tag) =	ssettag $0x0;
	lr =	simm.s32 $0x1  }
0x2: {  	[smem:$0x3F9F] =	sst lr;
	_ =	strace $0xD0000000  }
0x3: {  	_ = 	snop  }
0x4: {  	_ = 	snop  }
0x5: {  	_ = 	snop  }
0x6: {  	_ = 	snop  }
0x7: {  	_ = 	snop  }
__scs_overlays_trampoline_lowered:
0x8: {  	[smem:$0x3FAE] =	sst s0  }
0x9: {  	[smem:$0x3FAF] =	sst s1  }
0xa: {  	[smem:$0x3FB0] =	sst s2  }
0xb: {  	[smem:$0x3FB1] =	sst s3  }
0xc: {  	[smem:$0x3FB2] =	sst s4  }
0xd: {  	[smem:$0x3FB3] =	sst s5  }
0xe: {  	[smem:$0x3FB4] =	sst s6  }
0xf: {  	[smem:$0x3FB5] =	sst s7  }
0x10: {  	[smem:$0x3FB6] =	sst s8  }
0x11: {  	[smem:$0x3FB7] =	sst s9;
	s0 =	simm.s32 @!p0 $0x0  }
0x12: {  	s1 =	sld [smem:$0x3F9D];
	s0 =	simm.s32 @p0 $0x1  }
0x13: {  	[smem:$0x3FB8] =	sst s0;
	s0 =	simm.s32 @!p1 $0x0  }
0x14: {  	s2 =	sld [smem:$0x3F9C];
	s0 =	simm.s32 @p1 $0x1  }
0x15: {  	[smem:$0x3FB9] =	sst s0;
	s0 =	simm.s32 @!p2 $0x0  }
0x16: {  	s3 =	sld [smem:$0x3FDB];
	s0 =	simm.s32 @p2 $0x1  }
0x17: {  	s4 =	simm.s32 $0x1BF5;
	[smem:$0x3FBB] =	sst s0  }
0x18: {  	s0 =	sld [smem:$0x3F9E];
	_ =	swait.ge [sflag:s4], $0x0  }
0x19: {  	s7 =	sld [smem:$0x3F9F]  }
0x1a: {  	s8 =	sadd.s32 $0xFFFFE003, lr  }
0x1b: {  	s9 =	sadd.s32 $0xFFFFFEF7, lr;
	s5 =	simm.s32 $0xFFFFFFFF;
	p2 =	slt.u32 s8, $0xFFFFF086  }
0x1c: {  	p1 =	slt.u32 s9, $0xF7A;
	s5 =	simm.s32 @!p2 $0x0  }
0x1d: {  	s5 =	simm.s32 @p1 $0x1;
	p0 =	seq.s32 s7, s2  }
0x1e: {  	s7 =	smul.u32 @!p0 $0xF7A, s2;
	p2 =	seq.s32 @!p0 s5, $0x0  }
0x1f: {  	s9 =	smul.u32 $0xF7A, s1;
	s8 =	simm.s32 @!p0 $0x1BF5;
	p2 =	por !p2, p0  }
0x20: {  	[sflag:s8] =	ssyncset.s32 @!p0 $0xFFFFF086;
	s6 =	sadd.s32 @!p0 s3, s7;
	s7 =	simm.s32 @!p0 $0x108  }
0x21: {  	s3 =	sadd.s32 s3, s9;
	s6 =	sadd.s32 @!p0 $0x88, s6;
	s7 =	simm.s32 @p2 $0x1082  }
0x22: {  	[simem:s7], [sflag:s8] =	dma.local @!p0 [hbm:s6], $0xF7A  }
0x23: {  	s9 =	sor.u32 $0xD0000000, s2;
	s6 =	simm.s32 $0x108;
	_ =	swait.ge @!p0 [sflag:s8], $0x0  }
0x24: {  	s3 =	sadd.s32 $0x88, s3;
	s6 =	simm.s32 @!p1 $0x1082;
	[sflag:s4] =	ssyncset.s32 $0xFFFFF086  }
0x25: {  	[simem:s6], [sflag:s4] =	dma.local [hbm:s3], $0xF7A  }
0x26: {  	[smem:$0x3F9F] =	sst s1;
	(tag) =	ssettag s2;
	_ =	strace s9  }
0x27: {  	s1 =	sld [smem:$0x3FAF]  }
0x28: {  	s2 =	sld [smem:$0x3FB0]  }
0x29: {  	s4 =	sld [smem:$0x3FB2]  }
0x2a: {  	p0 =	seq.s32 s5, $0x0;
	s5 =	sld [smem:$0x3FB3]  }
0x2b: {  	s6 =	sld [smem:$0x3FB4]  }
0x2c: {  	s7 =	sld [smem:$0x3FB5]  }
0x2d: {  	s3 =	simm.s32 $0x108;
	s8 =	sld [smem:$0x3FB6]  }
0x2e: {  	s3 =	simm.s32 @!p0 $0x1082;
	s9 =	sld [smem:$0x3FB7]  }
0x2f: {  	lr =	sadd.s32 s0, s3;
	s0 =	sld [smem:$0x3FAE]  }
0x30: {  	s3 =	sld [smem:$0x3FB1]  }
0x31: {  	[smem:$0x3FBA] =	sst s10  }
0x32: {  	s10 =	sld [smem:$0x3FB8];
	_ =	sdelay $0x3  }
0x33: {  	p0 =	seq.s32 s10, $0x1;
	s10 =	sld [smem:$0x3FBA];
	_ =	sdelay $0x3  }
0x34: {  	[smem:$0x3FBA] =	sst s10  }
0x35: {  	s10 =	sld [smem:$0x3FB9];
	_ =	sdelay $0x3  }
0x36: {  	p1 =	seq.s32 s10, $0x1;
	s10 =	sld [smem:$0x3FBA];
	_ =	sdelay $0x3  }
0x37: {  	[smem:$0x3FBA] =	sst s10  }
0x38: {  	s10 =	sld [smem:$0x3FBB]  }
0x39: {  	_ = 	snop;
	(pc) =	sbr.ind lr, $3  }
0x3a: {  	_ = 	snop  }
0x3b: {  	_ = 	snop  }
0x3c: {  	p2 =	seq.s32 s10, $0x1;
	s10 =	sld [smem:$0x3FBA]  }
0x3d: {  	_ =	shalt  }
0x3e: {  	_ =	shalt  }
0x3f: {  	_ =	shalt  }
0x40: {  	_ =	shalt  }
0x41: {  	_ =	shalt  }
0x42: {  	_ =	shalt  }
0x43: {  	_ =	shalt  }
0x44: {  	_ =	shalt  }
0x45: {  	_ =	shalt  }
0x46: {  	_ =	shalt  }
0x47: {  	_ =	shalt  }
0x48: {  	_ =	shalt  }
0x49: {  	_ =	shalt  }
0x4a: {  	_ =	shalt  }
0x4b: {  	_ =	shalt  }
0x4c: {  	_ =	shalt  }
0x4d: {  	_ =	shalt  }
0x4e: {  	_ =	shalt  }
0x4f: {  	_ =	shalt  }
0x50: {  	_ =	shalt  }
0x51: {  	_ =	shalt  }
0x52: {  	_ =	shalt  }
0x53: {  	_ =	shalt  }
0x54: {  	_ =	shalt  }
0x55: {  	_ =	shalt  }
0x56: {  	_ =	shalt  }
0x57: {  	_ =	shalt  }
0x58: {  	_ =	shalt  }
0x59: {  	_ =	shalt  }
0x5a: {  	_ =	shalt  }
0x5b: {  	_ =	shalt  }
0x5c: {  	_ =	shalt  }
0x5d: {  	_ =	shalt  }
0x5e: {  	_ =	shalt  }
0x5f: {  	_ =	shalt  }
0x60: {  	_ =	shalt  }
0x61: {  	_ =	shalt  }
0x62: {  	_ =	shalt  }
0x63: {  	_ =	shalt  }
0x64: {  	_ =	shalt  }
0x65: {  	_ =	shalt  }
0x66: {  	_ =	shalt  }
0x67: {  	_ =	shalt  }
0x68: {  	_ =	shalt  }
0x69: {  	_ =	shalt  }
0x6a: {  	_ =	shalt  }
0x6b: {  	_ =	shalt  }
0x6c: {  	_ =	shalt  }
0x6d: {  	_ =	shalt  }
0x6e: {  	_ =	shalt  }
0x6f: {  	_ =	shalt  }
0x70: {  	_ =	shalt  }
0x71: {  	_ =	shalt  }
0x72: {  	_ =	shalt  }
0x73: {  	_ =	shalt  }
0x74: {  	_ =	shalt  }
0x75: {  	_ =	shalt  }
0x76: {  	_ =	shalt  }
0x77: {  	_ =	shalt  }
0x78: {  	_ =	shalt  }
0x79: {  	_ =	shalt  }
0x7a: {  	_ =	shalt  }
0x7b: {  	_ =	shalt  }
0x7c: {  	_ =	shalt  }
0x7d: {  	_ =	shalt  }
0x7e: {  	_ =	shalt  }
0x7f: {  	_ =	shalt  }
0x80: {  	_ =	shalt  }
0x81: {  	_ =	shalt  }
0x82: {  	_ =	shalt  }
0x83: {  	_ =	shalt  }
0x84: {  	_ =	shalt  }
0x85: {  	_ =	shalt  }
0x86: {  	_ =	shalt  }
0x87: {  	_ =	shalt  }
.Lfunc_end0:
.L_simem_size_0:
called_computation_lowered:
.L_overlay_start_0:
0x88: {  	s2 =	sld [smem:$0x3FD9]  }
0x89: {  	s3 =	sld [smem:$0x3FFE];
	_ =	sdelay $0x1  }
0x8a: {  	s1 =	srdreg.scid  }
0x8b: {  	s0 =	sand.u32 $0x1, s1  }
0x8c: {  	s17 =	sshll.u32 s0, $0xA;
	s2 =	sadd.s32 s3, s2  }
0x8d: {  	s2 =	sadd.s32 s2, s17  }
0x8e: {  	[smem:$0x3FC6] =	sst s2  }
0x8f: {  	_ = 	snop  }
0x90: {  	s2 =	sld [smem:$0x3FD0];
	(tm) =	ssettm $0x1  }
0x91: {  	s18 =	sld [smem:$0x3FFB];
	_ =	sdelay $0x3  }
0x92: {  	_ =	strace s18  }
0x93: {  	s3 =	sld [smem:$0x3FFC];
	_ =	sdelay $0x3  }
0x94: {  	_ =	strace s3  }
0x95: {  	s3 =	sld [smem:$0x3FFD];
	_ =	sdelay $0x3  }
0x96: {  	_ =	strace s3  }
0x97: {  	_ =	strace $0x8FFFFFFF  }
0x98: {  	s19 =	sld [smem:$0x3FDB];
	_ =	sdelay $0x1  }
0x99: {  	s4 =	simm.s32 $_scs_section_size  }
0x9a: {  	s5 =	simm.s32 $_size__tile_overlayer_lowered;
	s6 =	simm.s32 $_tile_overlayer_lowered  }
0x9b: {  	s22 =	simm.s32 $0x1BFF;
	s21 =	sshll.u32 s6, $0x1;
	s3 =	sadd.s32 s4, s19  }
0x9c: {  	s7 =	simm.s32 $0x0;
	s20 =	sshll.u32 s5, $0x1;
	s5 =	sadd.s32 s21, s3  }
0x9d: {  	[timem:s7], [sflag:s22] =	dma.local [hbm:s5], s20  }
0x9e: {  	_ =	swait.ge [sflag:s22], s20  }
0x9f: {  	s4 =	ssub.s32 $0x0, s20;
	[sflag:s22] =	ssyncset.done $0x0  }
0xa0: {  	[sflag:s22] =	ssyncadd.s32 s4;
	_ =	sdelay $0x1  }
0xa1: {  	s23 =	simm.s32 $0x1B8B  }
0xa2: {  	_ =	swait.ge [sflag:s23], $0x1  }
0xa3: {  	[sflag:s23] =	ssyncset.done $0x0  }
0xa4: {  	s25 =	simm.s32 $0x1B8E;
	s24 =	sld [smem:$0x3FFE];
	[sflag:s23] =	ssyncadd.s32 $0xFFFFFFFF  }
0xa5: {  	s26 =	simm.s32 $execute0_lowered;
	[smem:$0x3FD2] =	sst s25  }
0xa6: {  	s5 =	sshll.u32 s26, $0x1;
	_ =	strace $0x80000046;
	[dreg:$0x1] =	wrdreg $0xFFFFFFFF  }
0xa7: {  	s28 =	simm.s32 $_size_execute0_lowered;
	s3 =	sadd.s32 s3, s5;
	[dreg:$0x0] =	wrdreg $0x0  }
0xa8: {  	s5 =	sshll.u32 s28, $0x1;
	[dreg:$0x2] =	wrdreg s3  }
0xa9: {  	[dreg:$0x3] =	wrdreg s5  }
0xaa: {  	[dreg:$0x4] =	wrdreg $0xC0  }
0xab: {  	_ =	task [dreg:s7], $0x5FFFF  }
0xac: {  	[dreg:$0x1] =	wrdreg $0xFFFFFFFF  }
0xad: {  	[dreg:$0x0] =	wrdreg $0x60  }
0xae: {  	[dreg:$0x2] =	wrdreg s24  }
0xaf: {  	[dreg:$0x3] =	wrdreg s2  }
0xb0: {  	[dreg:$0x4] =	wrdreg $0x9  }
0xb1: {  	_ =	task.clear_ibuf [dreg:s7], $0x5FFFF;
	_ =	strace $0x90000046  }
0xb2: {  	s29 =	simm.s32 $0x9;
	_ =	strace $0x80000048  }
0xb3: {  	_ =	swait.ge [sflag:s29], $0x1  }
0xb4: {  	[sflag:s29] =	ssyncadd.s32 $0xFFFFFFFF  }
0xb5: {  	_ =	strace $0x90000048  }
0xb6: {  	_ =	sfence  }
0xb7: {  	s30 =	sld [smem:$0x0];
	_ =	sdelay $0x2  }
0xb8: {  	s31 =	sshll.u32 s1, $0xD;
	s1 =	sshrl.u32 s1, $0x2  }
0xb9: {  	s3 =	sand.u32 $0x4000, s31;
	s1 =	sadd.s32 s1, s30  }
0xba: {  	s0 =	sor.u32 s3, s0;
	s1 =	sshll.u32 s1, $0x11  }
0xbb: {  	s0 =	sor.u32 s1, s0  }
0xbc: {  	s0 =	sadd.s32 $0x8F2B, s0  }
0xbd: {  	[sflag:s0] =	ssyncadd.remote.s32 $0x1  }
0xbe: {  	_ =	sfence.sel $0xFFFF  }
0xbf: {  	[dreg:$0x0] =	wrdreg $0xFFFFFFFF;
	(pc) =	sbr.abs _section_cstart, $3  }
0xc0: {  	[dreg:$0x1] =	wrdreg $0xFFFFFFFF  }
0xc1: {  	_ =	task.clear_ibuf [dreg:s7], $0x2FFFF;
	_ =	strace $0x9FFFFFFF  }
0xc2: {  	(tm) =	ssettm $0x7FFFFFFF  }
0xc3: {  	_ =	shalt  }
tec
execute0_lowered:
.L_overlay_start_1:
0x0: {  	(tag) =	ssettag $0x1  }
0x1: {  	s0 =	rddreg [dreg:$0x0];
	s1 =	srdreg.scid  }
0x2: {  	s2 =	stileid.u32;
	s6 =	rddreg [dreg:$0x1]  }
0x3: {  	s3 =	simm.s32 $0x0;
	s14 =	simm.s32 $0x1;
	s15 =	simm.s32 $0xA400  }
0x4: {  	s17 =	simm.s32 $0x400;
	s19 =	simm.s32 $0x2;
	s1 =	sand.u32 $0x1, s1  }
0x5: {  	s2 =	sshll.u32 s2, $0x1;
	[smem:$0x7FF] =	sst s3;
	s31 =	sadd.s32 $0x8000, s6  }
0x6: {  	s2 =	sor.u32 s1, s2;
	s1 =	ssub.s32 $0x2, s1;
	_ =	strace $0x80000047  }
.Ltmp0:
0x7: {  	[dreg:$0x5] =	wrdreg s31;
	s26 =	sshll.u32 s2, $0x4;
	(pc) =	sbr.rel .LBB2_1-.Ltmp0, $4  }
0x8: {  	v0 =	vlaneseq.u32;
	s5 =	sshrl.u32 s1, $0x1;
	s30 =	sshll.u32 s2, $0x7;
	s3 =	sadd.s32 s26, s0  }
0x9: {  	v0 =	vmul.u32 $0x81, v0;
	s28 =	ssub.s32 s1, s5;
	[dreg:$0x4] =	wrdreg s30;
	s29 =	sadd.s32 $0x600, s3  }
0xa: {  	s4 =	sadd.s32 $0xF42A00, s0;
	s0 =	smax.u32 s28, $0x1;
	[dreg:$0x3] =	wrdreg s29  }
0xb: {  	s20 =	simm.s32 $0x4;
	v1 =	vadd.s32 $0x810, v0;
	v2 =	vadd.s32 $0x1020, v0;
	v3 =	vadd.s32 $0x1830, v0;
	s1 =	simm.s32 $0x0;
	[dreg:$0x6] =	wrdreg s0  }
.LBB2_24:
0xc: {  	s0 =	simm.s32 $0x3  }
0xd: {  	_ =	swait.ge [sflag:s0], $0x2000  }
0xe: {  	[sflag:s0] =	ssyncset.done $0x0  }
0xf: {  	[sflag:s0] =	ssyncadd.s32 $0xFFFFE000  }
0x10: {  	_ =	swait.ge [sflag:s20], $0x2000  }
0x11: {  	s1 =	rddreg [dreg:$0x7]  }
0x12: {  	s31 =	rddreg [dreg:$0x6];
	s1 =	sadd.s32 $0x1, s1  }
0x13: {  	p0 =	sne.s32 s1, s31  }
.Ltmp1:
0x14: {  	_ = 	snop;
	(pc) =	sbr.rel @!p0 .LBB2_25-.Ltmp1, $3  }
0x15: {  	_ =	sdelay $0x1  }
0x16: {  	[sflag:s20] =	ssyncset.done $0x0  }
0x17: {  	[sflag:s20] =	ssyncadd.s32 $0xFFFFE000  }
.LBB2_1:
0x18: {  	[dreg:$0x7] =	wrdreg s1  }
0x19: {  	s0 =	simm.s32 $0x0;
	s28 =	rddreg [dreg:$0x3]  }
0x1a: {  	s2 =	simm.s32 $0x80;
	s3 =	simm.s32 $0x1000;
	s29 =	simm.s32 $0x5  }
0x1b: {  	[tilespmem:s0], [sflag:$0x5] =	stream.strided.gather [hbm4b:s28+s2], $0x6400, s3, s2, $0x38;
	[tilespmem:$0x10440] =	vst v63  }
0x1c: {  	_ =	swait.ge [sflag:s29], $0x6400  }
0x1d: {  	[sflag:s29] =	ssyncset.done $0x0  }
0x1e: {  	s30 =	simm.s32 $0x6400;
	[sflag:s29] =	ssyncadd.s32 $0xFFFF9C00  }
0x1f: {  	[tilespmem:s30], [sflag:$0x1] =	stream.indirect.gather [hbm4b:s4+s2], $0x40, s0, s2, $0xb8;
	[tilespmem:$0x10440] =	vst v63  }
0x20: {  	s31 =	simm.s32 $0x8400;
	s24 =	simm.s32 $0x0  }
0x21: {  	[tilespmem:s31], [sflag:$0x2] =	stream.indirect.gather [hbm4b:s4+s2], $0x40, s2, s2, $0xb8;
	[tilespmem:$0x10440] =	vst v63  }
.LBB2_2:
0x22: {  	_ =	swait.ge [sflag:s14], $0x2000  }
0x23: {  	p0 =	seq.s32 s24, $0x0;
	[sflag:s14] =	ssyncset.done $0x0  }
0x24: {  	s0 =	simm.s32 @!p0 $0x3;
	[sflag:s14] =	ssyncadd.s32 $0xFFFFE000  }
0x25: {  	_ =	swait.ge @!p0 [sflag:s0], $0x2000  }
0x26: {  	[sflag:s0] =	ssyncset.done @!p0 $0x0  }
0x27: {  	s6 =	simm.s32 $0x6480;
	s1 =	simm.s32 $0x3;
	[sflag:s0] =	ssyncadd.s32 @!p0 $0xFFFFE000  }
0x28: {  	s9 =	simm.s32 $0x1;
	v5 =	vadd.s32 s1, v0;
	v4 =	vld [tilespmem:s6+$0x40]  }
0x29: {  	v7 =	vadd.s32 s9, v0;
	v6 =	vld [tilespmem:s6+$0xFFFFFFC0];
	_ =	sdelay $0x2  }
0x2a: {  	s5 =	simm.s32 $0x2  }
0x2b: {  	v9 =	vadd.s32 s5, v0;
	v8 =	vld [tilespmem:s6+$0x0];
	[tilespmem:v5+s15+$0x0] =	vst.idx.msk $0xffff, v4  }
0x2c: {  	v5 =	vadd.s32 s1, v1;
	[tilespmem:v7+s15+$0x0] =	vst.idx.msk $0xffff, v6;
	v4 =	vld [tilespmem:s6+$0x50]  }
0x2d: {  	v7 =	vadd.s32 s9, v1;
	v6 =	vld [tilespmem:s6+$0xFFFFFFD0]  }
0x2e: {  	s7 =	simm.s32 $0x0  }
0x2f: {  	v11 =	vadd.s32 s7, v0;
	v10 =	vld [tilespmem:s6+$0xFFFFFF80]  }
0x30: {  	[tilespmem:v9+s15+$0x0] =	vst.idx.msk $0xffff, v8  }
0x31: {  	v9 =	vadd.s32 s5, v1;
	v8 =	vld [tilespmem:s6+$0x10];
	[tilespmem:v5+s15+$0x0] =	vst.idx.msk $0xffff, v4  }
0x32: {  	v5 =	vadd.s32 s1, v2;
	[tilespmem:v7+s15+$0x0] =	vst.idx.msk $0xffff, v6;
	v4 =	vld [tilespmem:s6+$0x60]  }
0x33: {  	s8 =	simm.s32 $0x7;
	s0 =	simm.s32 $0x6580;
	v7 =	vadd.s32 s9, v2;
	v6 =	vld [tilespmem:s6+$0xFFFFFFE0]  }
0x34: {  	v13 =	vadd.s32 s8, v0;
	v12 =	vld [tilespmem:s0+$0x40];
	[tilespmem:v11+s15+$0x0] =	vst.idx.msk $0xffff, v10  }
0x35: {  	s3 =	simm.s32 $0x5;
	v11 =	vadd.s32 s7, v1;
	v10 =	vld [tilespmem:s6+$0xFFFFFF90]  }
0x36: {  	v15 =	vadd.s32 s3, v0;
	v14 =	vld [tilespmem:s0+$0xFFFFFFC0];
	[tilespmem:v9+s15+$0x0] =	vst.idx.msk $0xffff, v8  }
0x37: {  	s2 =	simm.s32 $0x6;
	v9 =	vadd.s32 s5, v2;
	v8 =	vld [tilespmem:s6+$0x20];
	[tilespmem:v5+s15+$0x0] =	vst.idx.msk $0xffff, v4  }
0x38: {  	[tilespmem:v7+s15+$0x0] =	vst.idx.msk $0xffff, v6;
	v6 =	vld [tilespmem:s0+$0x0];
	v7 =	vadd.s32 s2, v0  }
0x39: {  	[tilespmem:v13+s15+$0x0] =	vst.idx.msk $0xffff, v12;
	v5 =	vadd.s32 s1, v3;
	s1 =	simm.s32 $0x4;
	v4 =	vld [tilespmem:s6+$0x70]  }
0x3a: {  	[tilespmem:v11+s15+$0x0] =	vst.idx.msk $0xffff, v10;
	v10 =	vld [tilespmem:s0+$0xFFFFFF80];
	v11 =	vadd.s32 s1, v0  }
0x3b: {  	[tilespmem:v15+s15+$0x0] =	vst.idx.msk $0xffff, v14;
	v13 =	vadd.s32 s8, v1;
	v12 =	vld [tilespmem:s0+$0x50]  }
0x3c: {  	[tilespmem:v9+s15+$0x0] =	vst.idx.msk $0xffff, v8;
	v8 =	vld [tilespmem:s6+$0xFFFFFFA0];
	v9 =	vadd.s32 s7, v2  }
0x3d: {  	v15 =	vadd.s32 s3, v1;
	v14 =	vld [tilespmem:s0+$0xFFFFFFD0];
	[tilespmem:v7+s15+$0x0] =	vst.idx.msk $0xffff, v6  }
0x3e: {  	v7 =	vadd.s32 s9, v3;
	[tilespmem:v5+s15+$0x0] =	vst.idx.msk $0xffff, v4;
	v4 =	vld [tilespmem:s6+$0xFFFFFFF0]  }
0x3f: {  	v16 =	vadd.s32 s2, v1;
	[tilespmem:v11+s15+$0x0] =	vst.idx.msk $0xffff, v10;
	v10 =	vld [tilespmem:s0+$0x10]  }
0x40: {  	[tilespmem:v13+s15+$0x0] =	vst.idx.msk $0xffff, v12;
	v18 =	vadd.s32 s1, v1;
	v17 =	vld [tilespmem:s0+$0xFFFFFF90]  }
0x41: {  	[tilespmem:v9+s15+$0x0] =	vst.idx.msk $0xffff, v8;
	v8 =	vld [tilespmem:s6+$0x30];
	v11 =	vadd.s32 s5, v3  }
0x42: {  	[tilespmem:v15+s15+$0x0] =	vst.idx.msk $0xffff, v14;
	v13 =	vadd.s32 s8, v2;
	v6 =	vld [tilespmem:s0+$0x60]  }
0x43: {  	v12 =	vadd.s32 s3, v2;
	v5 =	vld [tilespmem:s0+$0xFFFFFFE0];
	[tilespmem:v7+s15+$0x0] =	vst.idx.msk $0xffff, v4  }
0x44: {  	s25 =	sshll.u32 s24, $0xA;
	s9 =	simm.s32 $0x6680;
	v9 =	vld [tilespmem:s6+$0xFFFFFFB0];
	[tilespmem:v16+s15+$0x0] =	vst.idx.msk $0xffff, v10;
	v10 =	vadd.s32 s7, v3  }
0x45: {  	s5 =	simm.s32 $0x8;
	s6 =	simm.s32 $0xB;
	s7 =	simm.s32 $0xC;
	v7 =	vadd.s32 s2, v2;
	[tilespmem:v18+s15+$0x0] =	vst.idx.msk $0xffff, v17;
	v4 =	vld [tilespmem:s0+$0x20]  }
.LBB2_3:
0x46: {  	p1 =	slt.u32 s7, $0x7C;
	s10 =	sadd.s32 $0x1, s5;
	v14 =	vld [tilespmem:s9+$0x40];
	v15 =	vadd.s32 s6, v0;
	[tilespmem:v11+s15+$0x0] =	vst.idx.msk $0xffff, v8  }
0x47: {  	v8 =	vld [tilespmem:s9+$0xFFFFFFC0];
	v11 =	vadd.s32 s10, v0;
	[tilespmem:v13+s15+$0x0] =	vst.idx.msk $0xffff, v6  }
0x48: {  	s11 =	sadd.s32 $0x2, s5;
	v6 =	vadd.s32 s8, v3;
	s8 =	smov.u32 s6;
	[tilespmem:v12+s15+$0x0] =	vst.idx.msk $0xffff, v5;
	v5 =	vld [tilespmem:s0+$0x70]  }
0x49: {  	v13 =	vadd.s32 s11, v0;
	v12 =	vld [tilespmem:s9+$0x0];
	[tilespmem:v10+s15+$0x0] =	vst.idx.msk $0xffff, v9  }
0x4a: {  	v10 =	vadd.s32 s5, v0;
	v9 =	vld [tilespmem:s9+$0xFFFFFF80];
	[tilespmem:v7+s15+$0x0] =	vst.idx.msk $0xffff, v4  }
0x4b: {  	v7 =	vadd.s32 s1, v2;
	[tilespmem:v15+s15+$0x0] =	vst.idx.msk $0xffff, v14;
	v4 =	vld [tilespmem:s0+$0xFFFFFFA0]  }
0x4c: {  	[tilespmem:v11+s15+$0x0] =	vst.idx.msk $0xffff, v8;
	v8 =	vld [tilespmem:s9+$0x50];
	v11 =	vadd.s32 s8, v1  }
0x4d: {  	v15 =	vadd.s32 s10, v1;
	v14 =	vld [tilespmem:s9+$0xFFFFFFD0];
	[tilespmem:v6+s15+$0x0] =	vst.idx.msk $0xffff, v5  }
0x4e: {  	v17 =	vadd.s32 s3, v3;
	s3 =	smov.u32 s10;
	[tilespmem:v13+s15+$0x0] =	vst.idx.msk $0xffff, v12;
	v16 =	vld [tilespmem:s0+$0xFFFFFFF0]  }
0x4f: {  	[tilespmem:v10+s15+$0x0] =	vst.idx.msk $0xffff, v9;
	v9 =	vld [tilespmem:s9+$0x10];
	v10 =	vadd.s32 s11, v1  }
0x50: {  	v19 =	vadd.s32 s5, v1;
	v18 =	vld [tilespmem:s9+$0xFFFFFF90];
	[tilespmem:v7+s15+$0x0] =	vst.idx.msk $0xffff, v4  }
.Ltmp2:
0x51: {  	[tilespmem:v11+s15+$0x0] =	vst.idx.msk $0xffff, v8;
	v8 =	vld [tilespmem:s0+$0x30];
	v11 =	vadd.s32 s2, v3;
	s2 =	smov.u32 s11;
	(pc) =	sbr.rel @p1 .LBB2_3-.Ltmp2, $4  }
0x52: {  	v13 =	vadd.s32 s8, v2;
	[tilespmem:v15+s15+$0x0] =	vst.idx.msk $0xffff, v14;
	v6 =	vld [tilespmem:s9+$0x60]  }
0x53: {  	v12 =	vadd.s32 s3, v2;
	v5 =	vld [tilespmem:s9+$0xFFFFFFE0];
	[tilespmem:v17+s15+$0x0] =	vst.idx.msk $0xffff, v16  }
0x54: {  	[tilespmem:v10+s15+$0x0] =	vst.idx.msk $0xffff, v9;
	v9 =	vld [tilespmem:s0+$0xFFFFFFB0];
	v10 =	vadd.s32 s1, v3;
	s1 =	smov.u32 s5;
	s5 =	smov.u32 s7;
	s0 =	smov.u32 s9  }
0x55: {  	v7 =	vadd.s32 s2, v2;
	s7 =	sadd.s32 $0x4, s7;
	s9 =	sadd.s32 $0x100, s9;
	s6 =	sadd.s32 $0x3, s5;
	[tilespmem:v19+s15+$0x0] =	vst.idx.msk $0xffff, v18;
	v4 =	vld [tilespmem:s0+$0x20]  }
0x56: {  	_ =	sdelay $0x2  }
0x57: {  	s7 =	sadd.s32 $0x1, s5;
	v14 =	vld [tilespmem:s9+$0x40];
	v15 =	vadd.s32 s6, v0  }
0x58: {  	[tilespmem:v11+s15+$0x0] =	vst.idx.msk $0xffff, v8;
	v8 =	vld [tilespmem:s9+$0xFFFFFFC0];
	s10 =	sadd.s32 $0x2, s5;
	v11 =	vadd.s32 s7, v0  }
0x59: {  	[tilespmem:v13+s15+$0x0] =	vst.idx.msk $0xffff, v6;
	v6 =	vld [tilespmem:s9+$0x0];
	v53 =	vadd.s32 s10, v0  }
0x5a: {  	v54 =	vadd.s32 s5, v0;
	[tilespmem:v12+s15+$0x0] =	vst.idx.msk $0xffff, v5;
	v5 =	vld [tilespmem:s9+$0xFFFFFF80]  }
0x5b: {  	[tilespmem:v10+s15+$0x0] =	vst.idx.msk $0xffff, v9  }
0x5c: {  	v9 =	vld [tilespmem:s0+$0x70];
	v10 =	vadd.s32 s8, v3;
	[tilespmem:v15+s15+$0x0] =	vst.idx.msk $0xffff, v14  }
0x5d: {  	[tilespmem:v11+s15+$0x0] =	vst.idx.msk $0xffff, v8;
	v8 =	vld [tilespmem:s9+$0x50];
	v11 =	vadd.s32 s6, v1  }
0x5e: {  	v56 =	vadd.s32 s7, v1;
	[tilespmem:v53+s15+$0x0] =	vst.idx.msk $0xffff, v6;
	v55 =	vld [tilespmem:s9+$0xFFFFFFD0]  }
0x5f: {  	v6 =	vadd.s32 s10, v1;
	[tilespmem:v54+s15+$0x0] =	vst.idx.msk $0xffff, v5;
	v5 =	vld [tilespmem:s9+$0x10]  }
0x60: {  	[tilespmem:v7+s15+$0x0] =	vst.idx.msk $0xffff, v4;
	v7 =	vadd.s32 s5, v1;
	v4 =	vld [tilespmem:s9+$0xFFFFFF90]  }
0x61: {  	v57 =	vld [tilespmem:s0+$0xFFFFFFA0];
	v58 =	vadd.s32 s1, v2;
	[tilespmem:v10+s15+$0x0] =	vst.idx.msk $0xffff, v9  }
0x62: {  	v9 =	vld [tilespmem:s0+$0xFFFFFFF0];
	v10 =	vadd.s32 s3, v3;
	[tilespmem:v11+s15+$0x0] =	vst.idx.msk $0xffff, v8  }
0x63: {  	v11 =	vadd.s32 s6, v2;
	[tilespmem:v56+s15+$0x0] =	vst.idx.msk $0xffff, v55;
	v8 =	vld [tilespmem:s9+$0x60]  }
0x64: {  	v59 =	vadd.s32 s7, v2;
	[tilespmem:v6+s15+$0x0] =	vst.idx.msk $0xffff, v5;
	v14 =	vld [tilespmem:s9+$0xFFFFFFE0]  }
0x65: {  	v5 =	vadd.s32 s10, v2;
	[tilespmem:v7+s15+$0x0] =	vst.idx.msk $0xffff, v4;
	v4 =	vld [tilespmem:s9+$0x20]  }
0x66: {  	[tilespmem:v58+s15+$0x0] =	vst.idx.msk $0xffff, v57;
	v7 =	vadd.s32 s5, v2;
	v6 =	vld [tilespmem:s9+$0xFFFFFFA0]  }
0x67: {  	v61 =	vadd.s32 s2, v3;
	v60 =	vld [tilespmem:s0+$0x30];
	[tilespmem:v10+s15+$0x0] =	vst.idx.msk $0xffff, v9  }
0x68: {  	v9 =	vld [tilespmem:s0+$0xFFFFFFB0];
	v10 =	vadd.s32 s1, v3;
	[tilespmem:v11+s15+$0x0] =	vst.idx.msk $0xffff, v8  }
0x69: {  	v11 =	vadd.s32 s6, v3;
	[tilespmem:v59+s15+$0x0] =	vst.idx.msk $0xffff, v14;
	v8 =	vld [tilespmem:s9+$0x70]  }
0x6a: {  	[tilespmem:v5+s15+$0x0] =	vst.idx.msk $0xffff, v4;
	v5 =	vadd.s32 s7, v3;
	v4 =	vld [tilespmem:s9+$0xFFFFFFF0]  }
0x6b: {  	[tilespmem:v7+s15+$0x0] =	vst.idx.msk $0xffff, v6;
	v6 =	vld [tilespmem:s9+$0x30];
	v7 =	vadd.s32 s10, v3  }
0x6c: {  	v63 =	vadd.s32 s5, v3;
	[tilespmem:v61+s15+$0x0] =	vst.idx.msk $0xffff, v60;
	v62 =	vld [tilespmem:s9+$0xFFFFFFB0]  }
0x6d: {  	[tilespmem:v10+s15+$0x0] =	vst.idx.msk $0xffff, v9  }
0x6e: {  	[tilespmem:v11+s15+$0x0] =	vst.idx.msk $0xffff, v8  }
0x6f: {  	[tilespmem:v5+s15+$0x0] =	vst.idx.msk $0xffff, v4  }
0x70: {  	[tilespmem:v7+s15+$0x0] =	vst.idx.msk $0xffff, v6  }
0x71: {  	s11 =	simm.s32 $0xA502;
	[tilespmem:v63+s15+$0x0] =	vst.idx.msk $0xffff, v62  }
0x72: {  	v4 =	vld [tilespmem:s11+$0x81];
	_ =	sdelay $0x1  }
0x73: {  	v5 =	vld [tilespmem:s11+$0xFFFFFEFE]  }
0x74: {  	s12 =	simm.s32 $0x0  }
0x75: {  	s13 =	simm.s32 $0x180;
	s1 =	sand.u32 $0x1C00, s12  }
0x76: {  	s2 =	sand.u32 $0x380, s13;
	s1 =	sadd.s32 $0xC440, s1;
	v4 =	vmul.f32 $8.000000000e+00, v4  }
0x77: {  	s16 =	simm.s32 $0x183;
	s26 =	sor.u32 s2, s1;
	v6 =	vld [tilespmem:s11+$0xFFFFFF7F]  }
0x78: {  	s13 =	sand.u32 $0x1FFF, s16;
	v7 =	vld [tilespmem:s11+$0x0];
	v5 =	vmul.f32 $8.000000000e+00, v5;
	[tilespmem:s26+$0x0] =	vst v4  }
0x79: {  	s28 =	simm.s32 $0xC480;
	s18 =	simm.s32 $0x0;
	v4 =	vld [tilespmem:s13+$0xA410]  }
0x7a: {  	s12 =	sand.u32 $0x1FFC, s18;
	[tilespmem:s28+$0xFFFFFFC0] =	vst v5  }
0x7b: {  	s21 =	simm.s32 $0x80;
	v5 =	vld [tilespmem:s12+$0xA410]  }
0x7c: {  	s22 =	simm.s32 $0x100;
	s0 =	sand.u32 $0x280, s21;
	v6 =	vmul.f32 $8.000000000e+00, v6  }
0x7d: {  	s23 =	simm.s32 $0x81;
	s2 =	sand.u32 $0x300, s22;
	s29 =	sor.u32 s0, s1;
	v7 =	vmul.f32 $8.000000000e+00, v7  }
0x7e: {  	s31 =	simm.s32 $0x102;
	s18 =	sand.u32 $0x1FFD, s23;
	s30 =	sor.u32 s2, s1;
	[tilespmem:s29+$0x0] =	vst v6;
	v4 =	vmul.f32 $8.000000000e+00, v4  }
0x7f: {  	s2 =	sand.u32 $0x1FFE, s31;
	[tilespmem:s30+$0x0] =	vst v7;
	v6 =	vld [tilespmem:s18+$0xA410]  }
0x80: {  	v7 =	vld [tilespmem:s2+$0xA410];
	v5 =	vmul.f32 $8.000000000e+00, v5;
	[tilespmem:s26+$0x10] =	vst v4  }
0x81: {  	v4 =	vld [tilespmem:s13+$0xA420]  }
0x82: {  	[tilespmem:s28+$0xFFFFFFD0] =	vst v5  }
0x83: {  	v5 =	vld [tilespmem:s12+$0xA420]  }
0x84: {  	v6 =	vmul.f32 $8.000000000e+00, v6  }
0x85: {  	v7 =	vmul.f32 $8.000000000e+00, v7  }
0x86: {  	[tilespmem:s29+$0x10] =	vst v6;
	v4 =	vmul.f32 $8.000000000e+00, v4  }
0x87: {  	[tilespmem:s30+$0x10] =	vst v7;
	v6 =	vld [tilespmem:s18+$0xA420]  }
0x88: {  	v7 =	vld [tilespmem:s2+$0xA420];
	v5 =	vmul.f32 $8.000000000e+00, v5;
	[tilespmem:s26+$0x20] =	vst v4  }
0x89: {  	v4 =	vld [tilespmem:s13+$0xA430]  }
0x8a: {  	[tilespmem:s28+$0xFFFFFFE0] =	vst v5  }
0x8b: {  	p2 =	por $0x1, $0x1;
	v5 =	vld [tilespmem:s12+$0xA430]  }
.Ltmp3:
0x8c: {  	v6 =	vmul.f32 $8.000000000e+00, v6;
	(pc) =	sbr.rel @!p2 .LBB2_5-.Ltmp3, $4  }
0x8d: {  	v7 =	vmul.f32 $8.000000000e+00, v7  }
0x8e: {  	[tilespmem:s29+$0x20] =	vst v6;
	v4 =	vmul.f32 $8.000000000e+00, v4  }
0x8f: {  	[tilespmem:s30+$0x20] =	vst v7;
	v9 =	vld [tilespmem:s18+$0xA430]  }
0x90: {  	p1 =	por $0x0, $0x0;
	s0 =	simm.s32 $0xA706;
	v7 =	vld [tilespmem:s2+$0xA430];
	v10 =	vmul.f32 $8.000000000e+00, v5;
	[tilespmem:s26+$0x30] =	vst v4  }
0x91: {  	v4 =	vld [tilespmem:s0+$0x81]  }
0x92: {  	v5 =	vld [tilespmem:s13+$0xA440]  }
0x93: {  	v6 =	vld [tilespmem:s0+$0xFFFFFEFE]  }
0x94: {  	s1 =	simm.s32 $0x200;
	v8 =	vmul.f32 $8.000000000e+00, v9;
	v9 =	vld [tilespmem:s0+$0xFFFFFF7F]  }
0x95: {  	s10 =	simm.s32 $0x380;
	[tilespmem:s28+$0xFFFFFFF0] =	vst v10;
	s1 =	sand.u32 $0x1C00, s1;
	v10 =	vld [tilespmem:s0+$0x0];
	v7 =	vmul.f32 $8.000000000e+00, v7  }
0x96: {  	s11 =	sand.u32 $0x380, s10;
	s1 =	sadd.s32 $0xC440, s1;
	[tilespmem:s29+$0x30] =	vst v8;
	v4 =	vmul.f32 $8.000000000e+00, v4;
	v8 =	vld [tilespmem:s12+$0xA440]  }
0x97: {  	s3 =	simm.s32 $0x280;
	s5 =	simm.s32 $0x387;
	s23 =	sor.u32 s11, s1;
	v5 =	vmul.f32 $8.000000000e+00, v5;
	[tilespmem:s30+$0x30] =	vst v7;
	v7 =	vld [tilespmem:s18+$0xA440]  }
0x98: {  	s16 =	simm.s32 $0x300;
	s6 =	sand.u32 $0x280, s3;
	s3 =	sand.u32 $0x1FFF, s5;
	v6 =	vmul.f32 $8.000000000e+00, v6;
	[tilespmem:s23+$0x0] =	vst v4;
	v4 =	vld [tilespmem:s2+$0xA440]  }
0x99: {  	s8 =	simm.s32 $0x204;
	s21 =	simm.s32 $0x285;
	s0 =	simm.s32 $0xC680;
	[tilespmem:s26+$0x40] =	vst v5;
	v9 =	vmul.f32 $8.000000000e+00, v9;
	v11 =	vld [tilespmem:s3+$0xA410]  }
0x9a: {  	s7 =	sand.u32 $0x300, s16;
	s8 =	sand.u32 $0x1FFC, s8;
	s31 =	sor.u32 s6, s1;
	[tilespmem:s0+$0xFFFFFFC0] =	vst v6;
	v5 =	vmul.f32 $8.000000000e+00, v10;
	v6 =	vld [tilespmem:s13+$0xA450]  }
0x9b: {  	s22 =	simm.s32 $0x306;
	s1 =	sor.u32 s7, s1;
	s11 =	sand.u32 $0x1FFD, s21;
	v10 =	vld [tilespmem:s8+$0xA410];
	[tilespmem:s31+$0x0] =	vst v9;
	v8 =	vmul.f32 $8.000000000e+00, v8  }
0x9c: {  	s22 =	sand.u32 $0x1FFE, s22;
	[tilespmem:s1+$0x0] =	vst v5;
	v9 =	vld [tilespmem:s11+$0xA410];
	v5 =	vmul.f32 $8.000000000e+00, v7  }
0x9d: {  	v7 =	vld [tilespmem:s22+$0xA410];
	[tilespmem:s28+$0x0] =	vst v8;
	v4 =	vmul.f32 $8.000000000e+00, v4  }
0x9e: {  	v8 =	vmul.f32 $8.000000000e+00, v11;
	v11 =	vld [tilespmem:s12+$0xA450];
	[tilespmem:s29+$0x40] =	vst v5  }
0x9f: {  	v5 =	vld [tilespmem:s18+$0xA450];
	[tilespmem:s30+$0x40] =	vst v4;
	v4 =	vmul.f32 $8.000000000e+00, v6  }
0xa0: {  	v6 =	vmul.f32 $8.000000000e+00, v10;
	[tilespmem:s23+$0x10] =	vst v8;
	v8 =	vld [tilespmem:s2+$0xA450]  }
0xa1: {  	v9 =	vmul.f32 $8.000000000e+00, v9;
	v10 =	vld [tilespmem:s3+$0xA420];
	[tilespmem:s26+$0x50] =	vst v4  }
0xa2: {  	[tilespmem:s0+$0xFFFFFFD0] =	vst v6;
	v4 =	vmul.f32 $8.000000000e+00, v7;
	v6 =	vld [tilespmem:s13+$0xA460]  }
0xa3: {  	v7 =	vld [tilespmem:s8+$0xA420];
	[tilespmem:s31+$0x10] =	vst v9;
	v9 =	vmul.f32 $8.000000000e+00, v11  }
0xa4: {  	[tilespmem:s1+$0x10] =	vst v4;
	v11 =	vld [tilespmem:s11+$0xA420];
	v4 =	vmul.f32 $8.000000000e+00, v5  }
0xa5: {  	v5 =	vld [tilespmem:s22+$0xA420];
	[tilespmem:s28+$0x10] =	vst v9;
	v8 =	vmul.f32 $8.000000000e+00, v8  }
0xa6: {  	v9 =	vmul.f32 $8.000000000e+00, v10;
	v10 =	vld [tilespmem:s12+$0xA460];
	[tilespmem:s29+$0x50] =	vst v4  }
0xa7: {  	v4 =	vld [tilespmem:s18+$0xA460];
	[tilespmem:s30+$0x50] =	vst v8;
	v6 =	vmul.f32 $8.000000000e+00, v6  }
0xa8: {  	v7 =	vmul.f32 $8.000000000e+00, v7;
	[tilespmem:s23+$0x20] =	vst v9;
	v8 =	vld [tilespmem:s2+$0xA460]  }
0xa9: {  	v9 =	vmul.f32 $8.000000000e+00, v11;
	v11 =	vld [tilespmem:s3+$0xA430];
	[tilespmem:s26+$0x60] =	vst v6  }
0xaa: {  	[tilespmem:s0+$0xFFFFFFE0] =	vst v7;
	v5 =	vmul.f32 $8.000000000e+00, v5;
	v6 =	vld [tilespmem:s13+$0xA470]  }
0xab: {  	p2 =	por $0x1, $0x1;
	v12 =	vld [tilespmem:s8+$0xA430];
	[tilespmem:s31+$0x20] =	vst v9;
	v10 =	vmul.f32 $8.000000000e+00, v10  }
.Ltmp4:
0xac: {  	[tilespmem:s1+$0x20] =	vst v5;
	v9 =	vld [tilespmem:s11+$0xA430];
	v4 =	vmul.f32 $8.000000000e+00, v4;
	(pc) =	sbr.rel @!p2 .LBB2_7-.Ltmp4, $4  }
0xad: {  	v7 =	vld [tilespmem:s22+$0xA430];
	[tilespmem:s28+$0x20] =	vst v10;
	v8 =	vmul.f32 $8.000000000e+00, v8  }
0xae: {  	v11 =	vmul.f32 $8.000000000e+00, v11;
	v5 =	vld [tilespmem:s12+$0xA470];
	[tilespmem:s29+$0x60] =	vst v4  }
0xaf: {  	s9 =	simm.s32 $0xA90A;
	v4 =	vld [tilespmem:s18+$0xA470];
	[tilespmem:s30+$0x60] =	vst v8;
	v8 =	vmul.f32 $8.000000000e+00, v6  }
0xb0: {  	p1 =	por $0x1, $0x1;
	s21 =	simm.s32 $0xC680;
	s12 =	simm.s32 $0x4;
	v10 =	vmul.f32 $8.000000000e+00, v12;
	[tilespmem:s23+$0x30] =	vst v11;
	v6 =	vld [tilespmem:s2+$0xA470]  }
.LBB2_8:
0xb1: {  	v11 =	vld [tilespmem:s9+$0x81];
	v9 =	vmul.f32 $8.000000000e+00, v9;
	[tilespmem:s26+$0x70] =	vst v8;
	s26 =	smov.u32 s23  }
0xb2: {  	s12 =	sadd.s32 $0x4, s12;
	[tilespmem:s0+$0xFFFFFFF0] =	vst v10;
	v7 =	vmul.f32 $8.000000000e+00, v7;
	v8 =	vld [tilespmem:s3+$0xA440]  }
0xb3: {  	s10 =	sadd.s32 $0x200, s10;
	p2 =	slt.u32 s12, $0x3C;
	v10 =	vld [tilespmem:s9+$0xFFFFFEFE];
	[tilespmem:s31+$0x30] =	vst v9;
	v5 =	vmul.f32 $8.000000000e+00, v5  }
0xb4: {  	s2 =	sadd.s32 $0xFFFFFE80, s10;
	s6 =	sadd.s32 $0xFFFFFF00, s10;
	s7 =	sadd.s32 $0xFFFFFF80, s10;
	v9 =	vld [tilespmem:s9+$0xFFFFFF7F];
	[tilespmem:s1+$0x30] =	vst v7;
	v4 =	vmul.f32 $8.000000000e+00, v4  }
0xb5: {  	s2 =	sand.u32 $0x1C00, s2;
	s6 =	sand.u32 $0x280, s6;
	s7 =	sand.u32 $0x300, s7;
	v7 =	vld [tilespmem:s9+$0x0];
	[tilespmem:s28+$0x30] =	vst v5;
	v5 =	vmul.f32 $8.000000000e+00, v6  }
0xb6: {  	s13 =	sand.u32 $0x380, s10;
	s0 =	sadd.s32 $0x200, s0;
	s2 =	sadd.s32 $0xC440, s2;
	v6 =	vmul.f32 $8.000000000e+00, v11;
	v11 =	vld [tilespmem:s8+$0xA440];
	[tilespmem:s29+$0x70] =	vst v4  }
0xb7: {  	s5 =	sadd.s32 $0x204, s5;
	s16 =	sor.u32 s6, s2;
	s23 =	sor.u32 s13, s2;
	v4 =	vld [tilespmem:s11+$0xA440];
	v8 =	vmul.f32 $8.000000000e+00, v8;
	[tilespmem:s30+$0x70] =	vst v5  }
0xb8: {  	s13 =	sadd.s32 $0xFFFFFEFE, s5;
	s7 =	sor.u32 s7, s2;
	s6 =	sand.u32 $0x1FFF, s5;
	v5 =	vmul.f32 $8.000000000e+00, v10;
	[tilespmem:s23+$0x0] =	vst v6;
	v6 =	vld [tilespmem:s22+$0xA440]  }
0xb9: {  	s18 =	sadd.s32 $0xFFFFFE7D, s5;
	s2 =	sand.u32 $0x1FFD, s13;
	s13 =	sadd.s32 $0xFFFFFF7F, s5;
	v9 =	vmul.f32 $8.000000000e+00, v9;
	v10 =	vld [tilespmem:s6+$0xA410];
	[tilespmem:s26+$0x40] =	vst v8  }
0xba: {  	s18 =	sand.u32 $0x1FFC, s18;
	s28 =	smov.u32 s21;
	s13 =	sand.u32 $0x1FFE, s13;
	[tilespmem:s0+$0xFFFFFFC0] =	vst v5;
	v5 =	vmul.f32 $8.000000000e+00, v7;
	v7 =	vld [tilespmem:s3+$0xA450]  }
0xbb: {  	s21 =	smov.u32 s0;
	s29 =	smov.u32 s31;
	s31 =	smov.u32 s16;
	v8 =	vld [tilespmem:s18+$0xA410];
	[tilespmem:s16+$0x0] =	vst v9;
	v9 =	vmul.f32 $8.000000000e+00, v11  }
0xbc: {  	s30 =	smov.u32 s1;
	s1 =	smov.u32 s7;
	v11 =	vld [tilespmem:s2+$0xA410];
	[tilespmem:s7+$0x0] =	vst v5;
	v4 =	vmul.f32 $8.000000000e+00, v4  }
0xbd: {  	v5 =	vld [tilespmem:s13+$0xA410];
	[tilespmem:s28+$0x0] =	vst v9;
	v6 =	vmul.f32 $8.000000000e+00, v6  }
0xbe: {  	v9 =	vmul.f32 $8.000000000e+00, v10;
	v10 =	vld [tilespmem:s8+$0xA450];
	[tilespmem:s29+$0x40] =	vst v4  }
0xbf: {  	v4 =	vld [tilespmem:s11+$0xA450];
	[tilespmem:s30+$0x40] =	vst v6;
	v6 =	vmul.f32 $8.000000000e+00, v7  }
0xc0: {  	v7 =	vmul.f32 $8.000000000e+00, v8;
	[tilespmem:s23+$0x10] =	vst v9;
	v8 =	vld [tilespmem:s22+$0xA450]  }
0xc1: {  	v9 =	vmul.f32 $8.000000000e+00, v11;
	v11 =	vld [tilespmem:s6+$0xA420];
	[tilespmem:s26+$0x50] =	vst v6  }
0xc2: {  	[tilespmem:s0+$0xFFFFFFD0] =	vst v7;
	v5 =	vmul.f32 $8.000000000e+00, v5;
	v6 =	vld [tilespmem:s3+$0xA460]  }
0xc3: {  	v7 =	vld [tilespmem:s18+$0xA420];
	[tilespmem:s31+$0x10] =	vst v9;
	v9 =	vmul.f32 $8.000000000e+00, v10  }
0xc4: {  	v10 =	vld [tilespmem:s2+$0xA420];
	[tilespmem:s1+$0x10] =	vst v5;
	v4 =	vmul.f32 $8.000000000e+00, v4  }
0xc5: {  	v5 =	vld [tilespmem:s13+$0xA420];
	[tilespmem:s28+$0x10] =	vst v9;
	v8 =	vmul.f32 $8.000000000e+00, v8  }
0xc6: {  	v9 =	vmul.f32 $8.000000000e+00, v11;
	v11 =	vld [tilespmem:s8+$0xA460];
	[tilespmem:s29+$0x50] =	vst v4  }
0xc7: {  	v4 =	vld [tilespmem:s11+$0xA460];
	[tilespmem:s30+$0x50] =	vst v8;
	v6 =	vmul.f32 $8.000000000e+00, v6  }
0xc8: {  	v7 =	vmul.f32 $8.000000000e+00, v7;
	[tilespmem:s23+$0x20] =	vst v9;
	v8 =	vld [tilespmem:s22+$0xA460]  }
0xc9: {  	v9 =	vmul.f32 $8.000000000e+00, v10;
	v10 =	vld [tilespmem:s6+$0xA430];
	[tilespmem:s26+$0x60] =	vst v6  }
0xca: {  	[tilespmem:s0+$0xFFFFFFE0] =	vst v7;
	v5 =	vmul.f32 $8.000000000e+00, v5;
	v6 =	vld [tilespmem:s3+$0xA470];
	s3 =	smov.u32 s6  }
0xcb: {  	v12 =	vld [tilespmem:s18+$0xA430];
	[tilespmem:s31+$0x20] =	vst v9;
	v11 =	vmul.f32 $8.000000000e+00, v11  }
.Ltmp5:
0xcc: {  	v9 =	vld [tilespmem:s2+$0xA430];
	[tilespmem:s1+$0x20] =	vst v5;
	v4 =	vmul.f32 $8.000000000e+00, v4;
	(pc) =	sbr.rel @p2 .LBB2_8-.Ltmp5, $4  }
0xcd: {  	v7 =	vld [tilespmem:s13+$0xA430];
	[tilespmem:s28+$0x20] =	vst v11;
	v8 =	vmul.f32 $8.000000000e+00, v8  }
0xce: {  	v11 =	vmul.f32 $8.000000000e+00, v10;
	v5 =	vld [tilespmem:s8+$0xA470];
	[tilespmem:s29+$0x60] =	vst v4;
	s8 =	smov.u32 s18  }
0xcf: {  	v4 =	vld [tilespmem:s11+$0xA470];
	[tilespmem:s30+$0x60] =	vst v8;
	v8 =	vmul.f32 $8.000000000e+00, v6;
	s11 =	smov.u32 s2  }
0xd0: {  	s9 =	sadd.s32 $0x204, s9;
	v10 =	vmul.f32 $8.000000000e+00, v12;
	[tilespmem:s23+$0x30] =	vst v11;
	v6 =	vld [tilespmem:s22+$0xA470];
	s22 =	smov.u32 s13  }
0xd1: {  	s5 =	smov.u32 s26;
	s6 =	smov.u32 s28  }
0xd2: {  	s26 =	smov.u32 s23;
	s13 =	smov.u32 s3;
	s12 =	smov.u32 s8  }
0xd3: {  	s18 =	smov.u32 s11;
	s2 =	smov.u32 s22;
	s28 =	smov.u32 s21  }
.LBB2_10:
0xd4: {  	v9 =	vmul.f32 $8.000000000e+00, v9  }
0xd5: {  	[tilespmem:s0+$0xFFFFFFF0] =	vst v10;
	v56 =	vld [tilespmem:s13+$0xA440]  }
0xd6: {  	v57 =	vld [tilespmem:s12+$0xA440];
	[tilespmem:s31+$0x30] =	vst v9  }
0xd7: {  	v7 =	vmul.f32 $8.000000000e+00, v7;
	v58 =	vld [tilespmem:s18+$0xA440];
	_ =	sdelay $0x1  }
0xd8: {  	[tilespmem:s1+$0x30] =	vst v7  }
0xd9: {  	v11 =	vld [tilespmem:s2+$0xA440];
	v10 =	vmul.f32 $8.000000000e+00, v56  }
0xda: {  	v9 =	vmul.f32 $8.000000000e+00, v57  }
0xdb: {  	[tilespmem:s26+$0x40] =	vst v10;
	v7 =	vmul.f32 $8.000000000e+00, v58  }
0xdc: {  	v10 =	vld [tilespmem:s13+$0xA450];
	[tilespmem:s28+$0x0] =	vst v9  }
0xdd: {  	v60 =	vld [tilespmem:s12+$0xA450];
	[tilespmem:s31+$0x40] =	vst v7  }
0xde: {  	v59 =	vmul.f32 $8.000000000e+00, v11;
	v7 =	vld [tilespmem:s18+$0xA450];
	_ =	sdelay $0x1  }
0xdf: {  	[tilespmem:s1+$0x40] =	vst v59  }
0xe0: {  	v9 =	vld [tilespmem:s2+$0xA450];
	v10 =	vmul.f32 $8.000000000e+00, v10  }
0xe1: {  	v11 =	vmul.f32 $8.000000000e+00, v60  }
0xe2: {  	[tilespmem:s26+$0x50] =	vst v10;
	v7 =	vmul.f32 $8.000000000e+00, v7  }
0xe3: {  	v10 =	vld [tilespmem:s13+$0xA460];
	[tilespmem:s28+$0x10] =	vst v11  }
0xe4: {  	v11 =	vld [tilespmem:s12+$0xA460];
	[tilespmem:s31+$0x50] =	vst v7  }
0xe5: {  	v9 =	vmul.f32 $8.000000000e+00, v9;
	v7 =	vld [tilespmem:s18+$0xA460];
	_ =	sdelay $0x1  }
0xe6: {  	[tilespmem:s1+$0x50] =	vst v9  }
0xe7: {  	v9 =	vld [tilespmem:s2+$0xA460];
	v10 =	vmul.f32 $8.000000000e+00, v10  }
0xe8: {  	v11 =	vmul.f32 $8.000000000e+00, v11  }
0xe9: {  	[tilespmem:s26+$0x60] =	vst v10;
	v7 =	vmul.f32 $8.000000000e+00, v7  }
0xea: {  	[tilespmem:s28+$0x20] =	vst v11;
	v10 =	vld [tilespmem:s13+$0xA470]  }
0xeb: {  	v5 =	vmul.f32 @p1 $8.000000000e+00, v5;
	v61 =	vld [tilespmem:s12+$0xA470];
	[tilespmem:s31+$0x60] =	vst v7  }
0xec: {  	[tilespmem:s5+$0x70] =	vst @p1 v8;
	v9 =	vmul.f32 $8.000000000e+00, v9;
	v62 =	vld [tilespmem:s18+$0xA470]  }
0xed: {  	v4 =	vmul.f32 @p1 $8.000000000e+00, v4;
	[tilespmem:s6+$0x30] =	vst @p1 v5  }
0xee: {  	v5 =	vmul.f32 @p1 $8.000000000e+00, v6;
	[tilespmem:s1+$0x60] =	vst v9  }
0xef: {  	[tilespmem:s29+$0x70] =	vst @p1 v4;
	v63 =	vld [tilespmem:s2+$0xA470];
	v4 =	vmul.f32 $8.000000000e+00, v10  }
0xf0: {  	[tilespmem:s30+$0x70] =	vst @p1 v5;
	v5 =	vmul.f32 $8.000000000e+00, v61  }
0xf1: {  	[tilespmem:s26+$0x70] =	vst v4;
	v4 =	vmul.f32 $8.000000000e+00, v62  }
0xf2: {  	p1 =	sne.s32 s24, $0x63;
	[tilespmem:s28+$0x30] =	vst v5  }
.Ltmp6:
0xf3: {  	[tilespmem:s31+$0x70] =	vst v4;
	(pc) =	sbr.rel @p1 .LBB2_12-.Ltmp6, $4  }
0xf4: {  	s26 =	sshll.u32 s24, $0x10;
	v5 =	vmul.f32 $8.000000000e+00, v63;
	s28 =	rddreg [dreg:$0x4]  }
0xf5: {  	s29 =	rddreg [dreg:$0x1];
	s26 =	sor.u32 s28, s26  }
0xf6: {  	s30 =	simm.s32 $0x8000;
	s31 =	simm.s32 $0xC440;
	[tilespmem:s1+$0x70] =	vst v5;
	s0 =	sadd.s32 s29, s26  }
0xf7: {  	[hbm4b:s0+s17] =	stream.strided.scatter [tilespmem:s31], [sflag:$0x3], $0x2000, s30, s17, $0x38;
	[tilespmem:$0x10440] =	vst v63  }
.Ltmp7:
0xf8: {  	(pc) =	sbr.rel .LBB2_13-.Ltmp7, $4  }
0xf9: {  	_ = 	snop  }
0xfa: {  	_ =	swait.ge [sflag:s19], $0x2000  }
0xfb: {  	[sflag:s19] =	ssyncset.done $0x0  }
0xfc: {  	[sflag:s19] =	ssyncadd.s32 $0xFFFFE000  }
.LBB2_12:
0xfd: {  	s0 =	sshrl.u32 s25, $0x2;
	s1 =	simm.s32 $0x80  }
.Ltmp8:
0xfe: {  	s2 =	simm.s32 $0x6400;
	s0 =	sadd.s32 $0x100, s0;
	(pc) =	sbr.rel @p0 .LBB2_14-.Ltmp8, $4  }
0xff: {  	[tilespmem:s2], [sflag:$0x1] =	stream.indirect.gather [hbm4b:s4+s1], $0x40, s0, s1, $0xb8;
	[tilespmem:$0x10440] =	vst v63  }
0x100: {  	_ =	swait.ge [sflag:s19], $0x2000  }
0x101: {  	[sflag:s19] =	ssyncset.done $0x0  }
0x102: {  	[sflag:s19] =	ssyncadd.s32 $0xFFFFE000  }
.LBB2_13:
0x103: {  	_ =	swait.ge [sflag:s20], $0x2000  }
0x104: {  	[sflag:s20] =	ssyncset.done $0x0  }
0x105: {  	[sflag:s20] =	ssyncadd.s32 $0xFFFFE000  }
.LBB2_14:
0x106: {  	s6 =	simm.s32 $0x8480;
	s1 =	simm.s32 $0x3  }
0x107: {  	s9 =	simm.s32 $0x1;
	v4 =	vld [tilespmem:s6+$0x40];
	v5 =	vadd.s32 s1, v0  }
0x108: {  	v6 =	vld [tilespmem:s6+$0xFFFFFFC0];
	v7 =	vadd.s32 s9, v0;
	_ =	sdelay $0x2  }
0x109: {  	s5 =	simm.s32 $0x2  }
0x10a: {  	v8 =	vld [tilespmem:s6+$0x0];
	v9 =	vadd.s32 s5, v0;
	[tilespmem:v5+s15+$0x0] =	vst.idx.msk $0xffff, v4  }
0x10b: {  	v5 =	vadd.s32 s1, v1;
	[tilespmem:v7+s15+$0x0] =	vst.idx.msk $0xffff, v6;
	v4 =	vld [tilespmem:s6+$0x50]  }
0x10c: {  	v7 =	vadd.s32 s9, v1;
	v6 =	vld [tilespmem:s6+$0xFFFFFFD0]  }
0x10d: {  	s7 =	simm.s32 $0x0  }
0x10e: {  	v10 =	vld [tilespmem:s6+$0xFFFFFF80];
	v11 =	vadd.s32 s7, v0  }
0x10f: {  	[tilespmem:v9+s15+$0x0] =	vst.idx.msk $0xffff, v8  }
0x110: {  	v9 =	vadd.s32 s5, v1;
	v8 =	vld [tilespmem:s6+$0x10];
	[tilespmem:v5+s15+$0x0] =	vst.idx.msk $0xffff, v4  }
0x111: {  	v5 =	vadd.s32 s1, v2;
	[tilespmem:v7+s15+$0x0] =	vst.idx.msk $0xffff, v6;
	v4 =	vld [tilespmem:s6+$0x60]  }
0x112: {  	s8 =	simm.s32 $0x7;
	s0 =	simm.s32 $0x8580;
	v7 =	vadd.s32 s9, v2;
	v6 =	vld [tilespmem:s6+$0xFFFFFFE0]  }
0x113: {  	v12 =	vld [tilespmem:s0+$0x40];
	v13 =	vadd.s32 s8, v0;
	[tilespmem:v11+s15+$0x0] =	vst.idx.msk $0xffff, v10  }
0x114: {  	s3 =	simm.s32 $0x5;
	v11 =	vadd.s32 s7, v1;
	v10 =	vld [tilespmem:s6+$0xFFFFFF90]  }
0x115: {  	v14 =	vld [tilespmem:s0+$0xFFFFFFC0];
	v15 =	vadd.s32 s3, v0;
	[tilespmem:v9+s15+$0x0] =	vst.idx.msk $0xffff, v8  }
0x116: {  	s2 =	simm.s32 $0x6;
	v9 =	vadd.s32 s5, v2;
	v8 =	vld [tilespmem:s6+$0x20];
	[tilespmem:v5+s15+$0x0] =	vst.idx.msk $0xffff, v4  }
0x117: {  	[tilespmem:v7+s15+$0x0] =	vst.idx.msk $0xffff, v6;
	v6 =	vld [tilespmem:s0+$0x0];
	v7 =	vadd.s32 s2, v0  }
0x118: {  	[tilespmem:v13+s15+$0x0] =	vst.idx.msk $0xffff, v12;
	v5 =	vadd.s32 s1, v3;
	s1 =	simm.s32 $0x4;
	v4 =	vld [tilespmem:s6+$0x70]  }
0x119: {  	[tilespmem:v11+s15+$0x0] =	vst.idx.msk $0xffff, v10;
	v10 =	vld [tilespmem:s0+$0xFFFFFF80];
	v11 =	vadd.s32 s1, v0  }
0x11a: {  	[tilespmem:v15+s15+$0x0] =	vst.idx.msk $0xffff, v14;
	v13 =	vadd.s32 s8, v1;
	v12 =	vld [tilespmem:s0+$0x50]  }
0x11b: {  	[tilespmem:v9+s15+$0x0] =	vst.idx.msk $0xffff, v8;
	v8 =	vld [tilespmem:s6+$0xFFFFFFA0];
	v9 =	vadd.s32 s7, v2  }
0x11c: {  	v15 =	vadd.s32 s3, v1;
	v14 =	vld [tilespmem:s0+$0xFFFFFFD0];
	[tilespmem:v7+s15+$0x0] =	vst.idx.msk $0xffff, v6  }
0x11d: {  	v6 =	vadd.s32 s9, v3;
	[tilespmem:v5+s15+$0x0] =	vst.idx.msk $0xffff, v4;
	v4 =	vld [tilespmem:s6+$0xFFFFFFF0]  }
0x11e: {  	v16 =	vadd.s32 s2, v1;
	[tilespmem:v11+s15+$0x0] =	vst.idx.msk $0xffff, v10;
	v10 =	vld [tilespmem:s0+$0x10]  }
0x11f: {  	[tilespmem:v13+s15+$0x0] =	vst.idx.msk $0xffff, v12;
	v18 =	vadd.s32 s1, v1;
	v17 =	vld [tilespmem:s0+$0xFFFFFF90]  }
0x120: {  	v12 =	vadd.s32 s5, v3;
	[tilespmem:v9+s15+$0x0] =	vst.idx.msk $0xffff, v8;
	v9 =	vld [tilespmem:s6+$0x30]  }
0x121: {  	[tilespmem:v15+s15+$0x0] =	vst.idx.msk $0xffff, v14;
	v13 =	vadd.s32 s8, v2;
	v7 =	vld [tilespmem:s0+$0x60]  }
0x122: {  	v5 =	vld [tilespmem:s0+$0xFFFFFFE0];
	v11 =	vadd.s32 s3, v2;
	[tilespmem:v6+s15+$0x0] =	vst.idx.msk $0xffff, v4  }
0x123: {  	s5 =	simm.s32 $0x8;
	v8 =	vld [tilespmem:s6+$0xFFFFFFB0];
	[tilespmem:v16+s15+$0x0] =	vst.idx.msk $0xffff, v10;
	v10 =	vadd.s32 s7, v3  }
0x124: {  	s9 =	simm.s32 $0x8680;
	s6 =	simm.s32 $0xB;
	s7 =	simm.s32 $0xC;
	v6 =	vadd.s32 s2, v2;
	[tilespmem:v18+s15+$0x0] =	vst.idx.msk $0xffff, v17;
	v4 =	vld [tilespmem:s0+$0x20]  }
.LBB2_15:
0x125: {  	p0 =	slt.u32 s7, $0x7C;
	s10 =	sadd.s32 $0x1, s5;
	v14 =	vld [tilespmem:s9+$0x40];
	v15 =	vadd.s32 s6, v0;
	[tilespmem:v12+s15+$0x0] =	vst.idx.msk $0xffff, v9  }
0x126: {  	v9 =	vld [tilespmem:s9+$0xFFFFFFC0];
	v12 =	vadd.s32 s10, v0;
	[tilespmem:v13+s15+$0x0] =	vst.idx.msk $0xffff, v7  }
0x127: {  	s11 =	sadd.s32 $0x2, s5;
	v7 =	vadd.s32 s8, v3;
	s8 =	smov.u32 s6;
	[tilespmem:v11+s15+$0x0] =	vst.idx.msk $0xffff, v5;
	v5 =	vld [tilespmem:s0+$0x70]  }
0x128: {  	v13 =	vadd.s32 s11, v0;
	v11 =	vld [tilespmem:s9+$0x0];
	[tilespmem:v10+s15+$0x0] =	vst.idx.msk $0xffff, v8  }
0x129: {  	v10 =	vadd.s32 s5, v0;
	v8 =	vld [tilespmem:s9+$0xFFFFFF80];
	[tilespmem:v6+s15+$0x0] =	vst.idx.msk $0xffff, v4  }
0x12a: {  	v6 =	vadd.s32 s1, v2;
	[tilespmem:v15+s15+$0x0] =	vst.idx.msk $0xffff, v14;
	v4 =	vld [tilespmem:s0+$0xFFFFFFA0]  }
0x12b: {  	[tilespmem:v12+s15+$0x0] =	vst.idx.msk $0xffff, v9;
	v9 =	vld [tilespmem:s9+$0x50];
	v12 =	vadd.s32 s8, v1  }
0x12c: {  	v15 =	vadd.s32 s10, v1;
	v14 =	vld [tilespmem:s9+$0xFFFFFFD0];
	[tilespmem:v7+s15+$0x0] =	vst.idx.msk $0xffff, v5  }
0x12d: {  	v17 =	vadd.s32 s3, v3;
	s3 =	smov.u32 s10;
	[tilespmem:v13+s15+$0x0] =	vst.idx.msk $0xffff, v11;
	v16 =	vld [tilespmem:s0+$0xFFFFFFF0]  }
0x12e: {  	[tilespmem:v10+s15+$0x0] =	vst.idx.msk $0xffff, v8;
	v8 =	vld [tilespmem:s9+$0x10];
	v10 =	vadd.s32 s11, v1  }
0x12f: {  	v19 =	vadd.s32 s5, v1;
	v18 =	vld [tilespmem:s9+$0xFFFFFF90];
	[tilespmem:v6+s15+$0x0] =	vst.idx.msk $0xffff, v4  }
.Ltmp9:
0x130: {  	[tilespmem:v12+s15+$0x0] =	vst.idx.msk $0xffff, v9;
	v9 =	vld [tilespmem:s0+$0x30];
	v12 =	vadd.s32 s2, v3;
	s2 =	smov.u32 s11;
	(pc) =	sbr.rel @p0 .LBB2_15-.Ltmp9, $4  }
0x131: {  	v13 =	vadd.s32 s8, v2;
	[tilespmem:v15+s15+$0x0] =	vst.idx.msk $0xffff, v14;
	v7 =	vld [tilespmem:s9+$0x60]  }
0x132: {  	v11 =	vadd.s32 s3, v2;
	v5 =	vld [tilespmem:s9+$0xFFFFFFE0];
	[tilespmem:v17+s15+$0x0] =	vst.idx.msk $0xffff, v16  }
0x133: {  	[tilespmem:v10+s15+$0x0] =	vst.idx.msk $0xffff, v8;
	v8 =	vld [tilespmem:s0+$0xFFFFFFB0];
	v10 =	vadd.s32 s1, v3;
	s1 =	smov.u32 s5;
	s5 =	smov.u32 s7;
	s0 =	smov.u32 s9  }
0x134: {  	v6 =	vadd.s32 s2, v2;
	s7 =	sadd.s32 $0x4, s7;
	s9 =	sadd.s32 $0x100, s9;
	s6 =	sadd.s32 $0x3, s5;
	[tilespmem:v19+s15+$0x0] =	vst.idx.msk $0xffff, v18;
	v4 =	vld [tilespmem:s0+$0x20]  }
0x135: {  	_ =	sdelay $0x2  }
0x136: {  	s7 =	sadd.s32 $0x1, s5;
	v14 =	vld [tilespmem:s9+$0x40];
	v15 =	vadd.s32 s6, v0  }
0x137: {  	[tilespmem:v12+s15+$0x0] =	vst.idx.msk $0xffff, v9;
	v9 =	vld [tilespmem:s9+$0xFFFFFFC0];
	s10 =	sadd.s32 $0x2, s5;
	v53 =	vadd.s32 s7, v0  }
0x138: {  	[tilespmem:v13+s15+$0x0] =	vst.idx.msk $0xffff, v7;
	v7 =	vld [tilespmem:s9+$0x0];
	v54 =	vadd.s32 s10, v0  }
0x139: {  	[tilespmem:v11+s15+$0x0] =	vst.idx.msk $0xffff, v5;
	v5 =	vld [tilespmem:s9+$0xFFFFFF80];
	v11 =	vadd.s32 s5, v0  }
0x13a: {  	[tilespmem:v10+s15+$0x0] =	vst.idx.msk $0xffff, v8  }
0x13b: {  	v8 =	vld [tilespmem:s0+$0x70];
	v10 =	vadd.s32 s8, v3;
	[tilespmem:v15+s15+$0x0] =	vst.idx.msk $0xffff, v14  }
0x13c: {  	v55 =	vadd.s32 s6, v1;
	[tilespmem:v53+s15+$0x0] =	vst.idx.msk $0xffff, v9;
	v9 =	vld [tilespmem:s9+$0x50]  }
0x13d: {  	v57 =	vadd.s32 s7, v1;
	[tilespmem:v54+s15+$0x0] =	vst.idx.msk $0xffff, v7;
	v56 =	vld [tilespmem:s9+$0xFFFFFFD0]  }
0x13e: {  	v7 =	vadd.s32 s10, v1;
	[tilespmem:v11+s15+$0x0] =	vst.idx.msk $0xffff, v5;
	v5 =	vld [tilespmem:s9+$0x10]  }
0x13f: {  	[tilespmem:v6+s15+$0x0] =	vst.idx.msk $0xffff, v4;
	v6 =	vadd.s32 s5, v1;
	v4 =	vld [tilespmem:s9+$0xFFFFFF90]  }
0x140: {  	v58 =	vadd.s32 s1, v2;
	v11 =	vld [tilespmem:s0+$0xFFFFFFA0];
	[tilespmem:v10+s15+$0x0] =	vst.idx.msk $0xffff, v8  }
0x141: {  	v8 =	vld [tilespmem:s0+$0xFFFFFFF0];
	v10 =	vadd.s32 s3, v3;
	[tilespmem:v55+s15+$0x0] =	vst.idx.msk $0xffff, v9  }
0x142: {  	v59 =	vadd.s32 s6, v2;
	[tilespmem:v57+s15+$0x0] =	vst.idx.msk $0xffff, v56;
	v9 =	vld [tilespmem:s9+$0x60]  }
0x143: {  	v60 =	vadd.s32 s7, v2;
	[tilespmem:v7+s15+$0x0] =	vst.idx.msk $0xffff, v5;
	v14 =	vld [tilespmem:s9+$0xFFFFFFE0]  }
0x144: {  	v5 =	vadd.s32 s10, v2;
	[tilespmem:v6+s15+$0x0] =	vst.idx.msk $0xffff, v4;
	v4 =	vld [tilespmem:s9+$0x20]  }
0x145: {  	[tilespmem:v58+s15+$0x0] =	vst.idx.msk $0xffff, v11;
	v7 =	vadd.s32 s5, v2;
	v6 =	vld [tilespmem:s9+$0xFFFFFFA0]  }
0x146: {  	v61 =	vadd.s32 s2, v3;
	v11 =	vld [tilespmem:s0+$0x30];
	[tilespmem:v10+s15+$0x0] =	vst.idx.msk $0xffff, v8  }
0x147: {  	v8 =	vld [tilespmem:s0+$0xFFFFFFB0];
	v10 =	vadd.s32 s1, v3;
	[tilespmem:v59+s15+$0x0] =	vst.idx.msk $0xffff, v9  }
0x148: {  	v62 =	vadd.s32 s6, v3;
	[tilespmem:v60+s15+$0x0] =	vst.idx.msk $0xffff, v14;
	v9 =	vld [tilespmem:s9+$0x70]  }
0x149: {  	[tilespmem:v5+s15+$0x0] =	vst.idx.msk $0xffff, v4;
	v5 =	vadd.s32 s7, v3;
	v4 =	vld [tilespmem:s9+$0xFFFFFFF0]  }
0x14a: {  	[tilespmem:v7+s15+$0x0] =	vst.idx.msk $0xffff, v6;
	v6 =	vld [tilespmem:s9+$0x30];
	v7 =	vadd.s32 s10, v3  }
0x14b: {  	v63 =	vadd.s32 s5, v3;
	[tilespmem:v61+s15+$0x0] =	vst.idx.msk $0xffff, v11;
	v11 =	vld [tilespmem:s9+$0xFFFFFFB0]  }
0x14c: {  	[tilespmem:v10+s15+$0x0] =	vst.idx.msk $0xffff, v8  }
0x14d: {  	[tilespmem:v62+s15+$0x0] =	vst.idx.msk $0xffff, v9  }
0x14e: {  	[tilespmem:v5+s15+$0x0] =	vst.idx.msk $0xffff, v4  }
0x14f: {  	[tilespmem:v7+s15+$0x0] =	vst.idx.msk $0xffff, v6  }
0x150: {  	s11 =	simm.s32 $0xA502;
	[tilespmem:v63+s15+$0x0] =	vst.idx.msk $0xffff, v11  }
0x151: {  	v4 =	vld [tilespmem:s11+$0x81];
	_ =	sdelay $0x1  }
0x152: {  	v5 =	vld [tilespmem:s11+$0xFFFFFEFE]  }
0x153: {  	s12 =	simm.s32 $0x0  }
0x154: {  	s13 =	simm.s32 $0x180;
	s1 =	sand.u32 $0x1C00, s12  }
0x155: {  	s18 =	sand.u32 $0x380, s13;
	s16 =	sadd.s32 $0xE440, s1;
	v4 =	vmul.f32 $8.000000000e+00, v4  }
0x156: {  	s21 =	simm.s32 $0x183;
	s12 =	sor.u32 s18, s16;
	v6 =	vld [tilespmem:s11+$0xFFFFFF7F]  }
0x157: {  	s18 =	sand.u32 $0x1FFF, s21;
	v7 =	vld [tilespmem:s11+$0x0];
	v5 =	vmul.f32 $8.000000000e+00, v5;
	[tilespmem:s12+$0x0] =	vst v4  }
0x158: {  	s22 =	simm.s32 $0x0;
	s9 =	simm.s32 $0xE480;
	v4 =	vld [tilespmem:s18+$0xA410]  }
0x159: {  	s2 =	sand.u32 $0x1FFC, s22;
	[tilespmem:s9+$0xFFFFFFC0] =	vst v5  }
0x15a: {  	s23 =	simm.s32 $0x80;
	v5 =	vld [tilespmem:s2+$0xA410]  }
0x15b: {  	s28 =	simm.s32 $0x100;
	s0 =	sand.u32 $0x280, s23;
	v6 =	vmul.f32 $8.000000000e+00, v6  }
0x15c: {  	s30 =	simm.s32 $0x81;
	s29 =	sand.u32 $0x300, s28;
	s1 =	sor.u32 s0, s16;
	v7 =	vmul.f32 $8.000000000e+00, v7  }
0x15d: {  	s31 =	simm.s32 $0x102;
	s0 =	sor.u32 s29, s16;
	s21 =	sand.u32 $0x1FFD, s30;
	[tilespmem:s1+$0x0] =	vst v6;
	v4 =	vmul.f32 $8.000000000e+00, v4  }
0x15e: {  	s13 =	sand.u32 $0x1FFE, s31;
	[tilespmem:s0+$0x0] =	vst v7;
	v6 =	vld [tilespmem:s21+$0xA410]  }
0x15f: {  	v7 =	vld [tilespmem:s13+$0xA410];
	v5 =	vmul.f32 $8.000000000e+00, v5;
	[tilespmem:s12+$0x10] =	vst v4  }
0x160: {  	v4 =	vld [tilespmem:s18+$0xA420]  }
0x161: {  	[tilespmem:s9+$0xFFFFFFD0] =	vst v5  }
0x162: {  	v5 =	vld [tilespmem:s2+$0xA420]  }
0x163: {  	v6 =	vmul.f32 $8.000000000e+00, v6  }
0x164: {  	v7 =	vmul.f32 $8.000000000e+00, v7  }
0x165: {  	[tilespmem:s1+$0x10] =	vst v6;
	v4 =	vmul.f32 $8.000000000e+00, v4  }
0x166: {  	[tilespmem:s0+$0x10] =	vst v7;
	v6 =	vld [tilespmem:s21+$0xA420]  }
0x167: {  	v7 =	vld [tilespmem:s13+$0xA420];
	v5 =	vmul.f32 $8.000000000e+00, v5;
	[tilespmem:s12+$0x20] =	vst v4  }
0x168: {  	v4 =	vld [tilespmem:s18+$0xA430]  }
0x169: {  	[tilespmem:s9+$0xFFFFFFE0] =	vst v5  }
0x16a: {  	p1 =	por $0x1, $0x1;
	v5 =	vld [tilespmem:s2+$0xA430]  }
.Ltmp10:
0x16b: {  	v6 =	vmul.f32 $8.000000000e+00, v6;
	(pc) =	sbr.rel @!p1 .LBB2_17-.Ltmp10, $4  }
0x16c: {  	v7 =	vmul.f32 $8.000000000e+00, v7  }
0x16d: {  	[tilespmem:s1+$0x20] =	vst v6;
	v4 =	vmul.f32 $8.000000000e+00, v4  }
0x16e: {  	[tilespmem:s0+$0x20] =	vst v7;
	v9 =	vld [tilespmem:s21+$0xA430]  }
0x16f: {  	p0 =	por $0x0, $0x0;
	s5 =	simm.s32 $0xA706;
	v7 =	vld [tilespmem:s13+$0xA430];
	v10 =	vmul.f32 $8.000000000e+00, v5;
	[tilespmem:s12+$0x30] =	vst v4  }
0x170: {  	v4 =	vld [tilespmem:s5+$0x81]  }
0x171: {  	v5 =	vld [tilespmem:s18+$0xA440]  }
0x172: {  	v6 =	vld [tilespmem:s5+$0xFFFFFEFE]  }
0x173: {  	s6 =	simm.s32 $0x200;
	v8 =	vmul.f32 $8.000000000e+00, v9;
	v9 =	vld [tilespmem:s5+$0xFFFFFF7F]  }
0x174: {  	s3 =	simm.s32 $0x380;
	[tilespmem:s9+$0xFFFFFFF0] =	vst v10;
	s6 =	sand.u32 $0x1C00, s6;
	v10 =	vld [tilespmem:s5+$0x0];
	v7 =	vmul.f32 $8.000000000e+00, v7  }
0x175: {  	s17 =	sand.u32 $0x380, s3;
	s6 =	sadd.s32 $0xE440, s6;
	[tilespmem:s1+$0x30] =	vst v8;
	v4 =	vmul.f32 $8.000000000e+00, v4;
	v8 =	vld [tilespmem:s2+$0xA440]  }
0x176: {  	s7 =	simm.s32 $0x280;
	s8 =	simm.s32 $0x387;
	s28 =	sor.u32 s17, s6;
	v5 =	vmul.f32 $8.000000000e+00, v5;
	[tilespmem:s0+$0x30] =	vst v7;
	v7 =	vld [tilespmem:s21+$0xA440]  }
0x177: {  	s10 =	simm.s32 $0x300;
	s11 =	simm.s32 $0x204;
	s5 =	sand.u32 $0x1FFF, s8;
	v6 =	vmul.f32 $8.000000000e+00, v6;
	[tilespmem:s28+$0x0] =	vst v4;
	v4 =	vld [tilespmem:s13+$0xA440]  }
0x178: {  	s7 =	sand.u32 $0x280, s7;
	s16 =	sand.u32 $0x300, s10;
	s10 =	simm.s32 $0xE680;
	[tilespmem:s12+$0x40] =	vst v5;
	v9 =	vmul.f32 $8.000000000e+00, v9;
	v11 =	vld [tilespmem:s5+$0xA410]  }
0x179: {  	s22 =	simm.s32 $0x285;
	s11 =	sand.u32 $0x1FFC, s11;
	s30 =	sor.u32 s7, s6;
	[tilespmem:s10+$0xFFFFFFC0] =	vst v6;
	v5 =	vmul.f32 $8.000000000e+00, v10;
	v6 =	vld [tilespmem:s18+$0xA450]  }
0x17a: {  	s23 =	simm.s32 $0x306;
	s22 =	sand.u32 $0x1FFD, s22;
	s31 =	sor.u32 s16, s6;
	v10 =	vld [tilespmem:s11+$0xA410];
	[tilespmem:s30+$0x0] =	vst v9;
	v8 =	vmul.f32 $8.000000000e+00, v8  }
0x17b: {  	s23 =	sand.u32 $0x1FFE, s23;
	[tilespmem:s31+$0x0] =	vst v5;
	v9 =	vld [tilespmem:s22+$0xA410];
	v5 =	vmul.f32 $8.000000000e+00, v7  }
0x17c: {  	v7 =	vld [tilespmem:s23+$0xA410];
	[tilespmem:s9+$0x0] =	vst v8;
	v4 =	vmul.f32 $8.000000000e+00, v4  }
0x17d: {  	v8 =	vmul.f32 $8.000000000e+00, v11;
	v11 =	vld [tilespmem:s2+$0xA450];
	[tilespmem:s1+$0x40] =	vst v5  }
0x17e: {  	v5 =	vld [tilespmem:s21+$0xA450];
	[tilespmem:s0+$0x40] =	vst v4;
	v4 =	vmul.f32 $8.000000000e+00, v6  }
0x17f: {  	v6 =	vmul.f32 $8.000000000e+00, v10;
	[tilespmem:s28+$0x10] =	vst v8;
	v8 =	vld [tilespmem:s13+$0xA450]  }
0x180: {  	v9 =	vmul.f32 $8.000000000e+00, v9;
	v10 =	vld [tilespmem:s5+$0xA420];
	[tilespmem:s12+$0x50] =	vst v4  }
0x181: {  	[tilespmem:s10+$0xFFFFFFD0] =	vst v6;
	v4 =	vmul.f32 $8.000000000e+00, v7;
	v6 =	vld [tilespmem:s18+$0xA460]  }
0x182: {  	v7 =	vld [tilespmem:s11+$0xA420];
	[tilespmem:s30+$0x10] =	vst v9;
	v9 =	vmul.f32 $8.000000000e+00, v11  }
0x183: {  	[tilespmem:s31+$0x10] =	vst v4;
	v11 =	vld [tilespmem:s22+$0xA420];
	v4 =	vmul.f32 $8.000000000e+00, v5  }
0x184: {  	v5 =	vld [tilespmem:s23+$0xA420];
	[tilespmem:s9+$0x10] =	vst v9;
	v8 =	vmul.f32 $8.000000000e+00, v8  }
0x185: {  	v9 =	vmul.f32 $8.000000000e+00, v10;
	v10 =	vld [tilespmem:s2+$0xA460];
	[tilespmem:s1+$0x50] =	vst v4  }
0x186: {  	v4 =	vld [tilespmem:s21+$0xA460];
	[tilespmem:s0+$0x50] =	vst v8;
	v6 =	vmul.f32 $8.000000000e+00, v6  }
0x187: {  	v7 =	vmul.f32 $8.000000000e+00, v7;
	[tilespmem:s28+$0x20] =	vst v9;
	v8 =	vld [tilespmem:s13+$0xA460]  }
0x188: {  	v9 =	vmul.f32 $8.000000000e+00, v11;
	v11 =	vld [tilespmem:s5+$0xA430];
	[tilespmem:s12+$0x60] =	vst v6  }
0x189: {  	[tilespmem:s10+$0xFFFFFFE0] =	vst v7;
	v5 =	vmul.f32 $8.000000000e+00, v5;
	v6 =	vld [tilespmem:s18+$0xA470]  }
0x18a: {  	p1 =	por $0x1, $0x1;
	v12 =	vld [tilespmem:s11+$0xA430];
	[tilespmem:s30+$0x20] =	vst v9;
	v10 =	vmul.f32 $8.000000000e+00, v10  }
.Ltmp11:
0x18b: {  	[tilespmem:s31+$0x20] =	vst v5;
	v9 =	vld [tilespmem:s22+$0xA430];
	v4 =	vmul.f32 $8.000000000e+00, v4;
	(pc) =	sbr.rel @!p1 .LBB2_19-.Ltmp11, $4  }
0x18c: {  	v7 =	vld [tilespmem:s23+$0xA430];
	[tilespmem:s9+$0x20] =	vst v10;
	v8 =	vmul.f32 $8.000000000e+00, v8  }
0x18d: {  	v11 =	vmul.f32 $8.000000000e+00, v11;
	v5 =	vld [tilespmem:s2+$0xA470];
	[tilespmem:s1+$0x60] =	vst v4  }
0x18e: {  	p0 =	por $0x1, $0x1;
	v4 =	vld [tilespmem:s21+$0xA470];
	[tilespmem:s0+$0x60] =	vst v8;
	v8 =	vmul.f32 $8.000000000e+00, v6  }
0x18f: {  	s29 =	simm.s32 $0xE680;
	s18 =	simm.s32 $0xA90A;
	s2 =	simm.s32 $0x4;
	v10 =	vmul.f32 $8.000000000e+00, v12;
	[tilespmem:s28+$0x30] =	vst v11;
	v6 =	vld [tilespmem:s13+$0xA470]  }
.LBB2_20:
0x190: {  	v11 =	vld [tilespmem:s18+$0x81];
	v9 =	vmul.f32 $8.000000000e+00, v9;
	[tilespmem:s12+$0x70] =	vst v8;
	s12 =	smov.u32 s28  }
0x191: {  	s2 =	sadd.s32 $0x4, s2;
	[tilespmem:s10+$0xFFFFFFF0] =	vst v10;
	v7 =	vmul.f32 $8.000000000e+00, v7;
	v8 =	vld [tilespmem:s5+$0xA440]  }
0x192: {  	s3 =	sadd.s32 $0x200, s3;
	p1 =	slt.u32 s2, $0x3C;
	v10 =	vld [tilespmem:s18+$0xFFFFFEFE];
	[tilespmem:s30+$0x30] =	vst v9;
	v5 =	vmul.f32 $8.000000000e+00, v5  }
0x193: {  	s6 =	sadd.s32 $0xFFFFFE80, s3;
	s7 =	sadd.s32 $0xFFFFFF00, s3;
	s13 =	sadd.s32 $0xFFFFFF80, s3;
	v9 =	vld [tilespmem:s18+$0xFFFFFF7F];
	[tilespmem:s31+$0x30] =	vst v7;
	v4 =	vmul.f32 $8.000000000e+00, v4  }
0x194: {  	s6 =	sand.u32 $0x1C00, s6;
	s7 =	sand.u32 $0x280, s7;
	s13 =	sand.u32 $0x300, s13;
	v7 =	vld [tilespmem:s18+$0x0];
	[tilespmem:s9+$0x30] =	vst v5;
	v5 =	vmul.f32 $8.000000000e+00, v6  }
0x195: {  	s10 =	sadd.s32 $0x200, s10;
	s6 =	sadd.s32 $0xE440, s6;
	s9 =	sand.u32 $0x380, s3;
	v6 =	vmul.f32 $8.000000000e+00, v11;
	v11 =	vld [tilespmem:s11+$0xA440];
	[tilespmem:s1+$0x70] =	vst v4  }
0x196: {  	s8 =	sadd.s32 $0x204, s8;
	s16 =	sor.u32 s7, s6;
	s28 =	sor.u32 s9, s6;
	v4 =	vld [tilespmem:s22+$0xA440];
	v8 =	vmul.f32 $8.000000000e+00, v8;
	[tilespmem:s0+$0x70] =	vst v5  }
0x197: {  	s17 =	sor.u32 s13, s6;
	s7 =	sand.u32 $0x1FFF, s8;
	s0 =	sadd.s32 $0xFFFFFEFE, s8;
	v5 =	vmul.f32 $8.000000000e+00, v10;
	[tilespmem:s28+$0x0] =	vst v6;
	v6 =	vld [tilespmem:s23+$0xA440]  }
0x198: {  	s1 =	sadd.s32 $0xFFFFFE7D, s8;
	s13 =	sand.u32 $0x1FFD, s0;
	s0 =	sadd.s32 $0xFFFFFF7F, s8;
	v9 =	vmul.f32 $8.000000000e+00, v9;
	v10 =	vld [tilespmem:s7+$0xA410];
	[tilespmem:s12+$0x40] =	vst v8  }
0x199: {  	s9 =	smov.u32 s29;
	s6 =	sand.u32 $0x1FFC, s1;
	s21 =	sand.u32 $0x1FFE, s0;
	[tilespmem:s10+$0xFFFFFFC0] =	vst v5;
	v5 =	vmul.f32 $8.000000000e+00, v7;
	v7 =	vld [tilespmem:s5+$0xA450]  }
0x19a: {  	s29 =	smov.u32 s10;
	s1 =	smov.u32 s30;
	s30 =	smov.u32 s16;
	v8 =	vld [tilespmem:s6+$0xA410];
	[tilespmem:s16+$0x0] =	vst v9;
	v9 =	vmul.f32 $8.000000000e+00, v11  }
0x19b: {  	s0 =	smov.u32 s31;
	s31 =	smov.u32 s17;
	v11 =	vld [tilespmem:s13+$0xA410];
	[tilespmem:s17+$0x0] =	vst v5;
	v4 =	vmul.f32 $8.000000000e+00, v4  }
0x19c: {  	v5 =	vld [tilespmem:s21+$0xA410];
	[tilespmem:s9+$0x0] =	vst v9;
	v6 =	vmul.f32 $8.000000000e+00, v6  }
0x19d: {  	v9 =	vmul.f32 $8.000000000e+00, v10;
	v10 =	vld [tilespmem:s11+$0xA450];
	[tilespmem:s1+$0x40] =	vst v4  }
0x19e: {  	v4 =	vld [tilespmem:s22+$0xA450];
	[tilespmem:s0+$0x40] =	vst v6;
	v6 =	vmul.f32 $8.000000000e+00, v7  }
0x19f: {  	v7 =	vmul.f32 $8.000000000e+00, v8;
	[tilespmem:s28+$0x10] =	vst v9;
	v8 =	vld [tilespmem:s23+$0xA450]  }
0x1a0: {  	v9 =	vmul.f32 $8.000000000e+00, v11;
	v11 =	vld [tilespmem:s7+$0xA420];
	[tilespmem:s12+$0x50] =	vst v6  }
0x1a1: {  	[tilespmem:s10+$0xFFFFFFD0] =	vst v7;
	v5 =	vmul.f32 $8.000000000e+00, v5;
	v6 =	vld [tilespmem:s5+$0xA460]  }
0x1a2: {  	v7 =	vld [tilespmem:s6+$0xA420];
	[tilespmem:s30+$0x10] =	vst v9;
	v9 =	vmul.f32 $8.000000000e+00, v10  }
0x1a3: {  	v10 =	vld [tilespmem:s13+$0xA420];
	[tilespmem:s31+$0x10] =	vst v5;
	v4 =	vmul.f32 $8.000000000e+00, v4  }
0x1a4: {  	v5 =	vld [tilespmem:s21+$0xA420];
	[tilespmem:s9+$0x10] =	vst v9;
	v8 =	vmul.f32 $8.000000000e+00, v8  }
0x1a5: {  	v9 =	vmul.f32 $8.000000000e+00, v11;
	v11 =	vld [tilespmem:s11+$0xA460];
	[tilespmem:s1+$0x50] =	vst v4  }
0x1a6: {  	v4 =	vld [tilespmem:s22+$0xA460];
	[tilespmem:s0+$0x50] =	vst v8;
	v6 =	vmul.f32 $8.000000000e+00, v6  }
0x1a7: {  	v7 =	vmul.f32 $8.000000000e+00, v7;
	[tilespmem:s28+$0x20] =	vst v9;
	v8 =	vld [tilespmem:s23+$0xA460]  }
0x1a8: {  	v9 =	vmul.f32 $8.000000000e+00, v10;
	v10 =	vld [tilespmem:s7+$0xA430];
	[tilespmem:s12+$0x60] =	vst v6  }
0x1a9: {  	[tilespmem:s10+$0xFFFFFFE0] =	vst v7;
	v5 =	vmul.f32 $8.000000000e+00, v5;
	v6 =	vld [tilespmem:s5+$0xA470];
	s5 =	smov.u32 s7  }
0x1aa: {  	v12 =	vld [tilespmem:s6+$0xA430];
	[tilespmem:s30+$0x20] =	vst v9;
	v11 =	vmul.f32 $8.000000000e+00, v11  }
.Ltmp12:
0x1ab: {  	v9 =	vld [tilespmem:s13+$0xA430];
	[tilespmem:s31+$0x20] =	vst v5;
	v4 =	vmul.f32 $8.000000000e+00, v4;
	(pc) =	sbr.rel @p1 .LBB2_20-.Ltmp12, $4  }
0x1ac: {  	v7 =	vld [tilespmem:s21+$0xA430];
	[tilespmem:s9+$0x20] =	vst v11;
	v8 =	vmul.f32 $8.000000000e+00, v8  }
0x1ad: {  	v11 =	vmul.f32 $8.000000000e+00, v10;
	v5 =	vld [tilespmem:s11+$0xA470];
	[tilespmem:s1+$0x60] =	vst v4;
	s11 =	smov.u32 s6  }
0x1ae: {  	v4 =	vld [tilespmem:s22+$0xA470];
	[tilespmem:s0+$0x60] =	vst v8;
	v8 =	vmul.f32 $8.000000000e+00, v6;
	s22 =	smov.u32 s13  }
0x1af: {  	s18 =	sadd.s32 $0x204, s18;
	v10 =	vmul.f32 $8.000000000e+00, v12;
	[tilespmem:s28+$0x30] =	vst v11;
	v6 =	vld [tilespmem:s23+$0xA470];
	s23 =	smov.u32 s21  }
0x1b0: {  	s3 =	smov.u32 s12;
	s6 =	smov.u32 s9;
	s12 =	smov.u32 s28  }
0x1b1: {  	s18 =	smov.u32 s5;
	s2 =	smov.u32 s11;
	s21 =	smov.u32 s22  }
0x1b2: {  	s13 =	smov.u32 s23;
	s9 =	smov.u32 s29;
	s17 =	simm.s32 $0x400  }
.LBB2_22:
0x1b3: {  	v9 =	vmul.f32 $8.000000000e+00, v9  }
0x1b4: {  	[tilespmem:s10+$0xFFFFFFF0] =	vst v10;
	v7 =	vmul.f32 $8.000000000e+00, v7;
	v56 =	vld [tilespmem:s18+$0xA440]  }
0x1b5: {  	v57 =	vld [tilespmem:s2+$0xA440];
	[tilespmem:s30+$0x30] =	vst v9  }
0x1b6: {  	[tilespmem:s31+$0x30] =	vst v7;
	v58 =	vld [tilespmem:s21+$0xA440]  }
0x1b7: {  	v11 =	vld [tilespmem:s13+$0xA440];
	_ =	sdelay $0x1  }
0x1b8: {  	v10 =	vmul.f32 $8.000000000e+00, v56  }
0x1b9: {  	v9 =	vmul.f32 $8.000000000e+00, v57  }
0x1ba: {  	[tilespmem:s12+$0x40] =	vst v10;
	v7 =	vmul.f32 $8.000000000e+00, v58  }
0x1bb: {  	v10 =	vld [tilespmem:s18+$0xA450];
	[tilespmem:s9+$0x0] =	vst v9;
	v59 =	vmul.f32 $8.000000000e+00, v11  }
0x1bc: {  	v60 =	vld [tilespmem:s2+$0xA450];
	[tilespmem:s30+$0x40] =	vst v7  }
0x1bd: {  	[tilespmem:s31+$0x40] =	vst v59;
	v7 =	vld [tilespmem:s21+$0xA450]  }
0x1be: {  	v9 =	vld [tilespmem:s13+$0xA450];
	_ =	sdelay $0x1  }
0x1bf: {  	v10 =	vmul.f32 $8.000000000e+00, v10  }
0x1c0: {  	v11 =	vmul.f32 $8.000000000e+00, v60  }
0x1c1: {  	[tilespmem:s12+$0x50] =	vst v10;
	v7 =	vmul.f32 $8.000000000e+00, v7  }
0x1c2: {  	v10 =	vld [tilespmem:s18+$0xA460];
	[tilespmem:s9+$0x10] =	vst v11;
	v9 =	vmul.f32 $8.000000000e+00, v9  }
0x1c3: {  	v11 =	vld [tilespmem:s2+$0xA460];
	[tilespmem:s30+$0x50] =	vst v7  }
0x1c4: {  	[tilespmem:s31+$0x50] =	vst v9;
	v7 =	vld [tilespmem:s21+$0xA460]  }
0x1c5: {  	v9 =	vld [tilespmem:s13+$0xA460];
	_ =	sdelay $0x1  }
0x1c6: {  	v10 =	vmul.f32 $8.000000000e+00, v10  }
0x1c7: {  	v11 =	vmul.f32 $8.000000000e+00, v11  }
0x1c8: {  	[tilespmem:s12+$0x60] =	vst v10;
	v7 =	vmul.f32 $8.000000000e+00, v7  }
0x1c9: {  	[tilespmem:s9+$0x20] =	vst v11;
	v10 =	vld [tilespmem:s18+$0xA470];
	v9 =	vmul.f32 $8.000000000e+00, v9  }
0x1ca: {  	v61 =	vld [tilespmem:s2+$0xA470];
	[tilespmem:s30+$0x60] =	vst v7  }
0x1cb: {  	v5 =	vmul.f32 @p0 $8.000000000e+00, v5;
	[tilespmem:s31+$0x60] =	vst v9;
	v62 =	vld [tilespmem:s21+$0xA470]  }
0x1cc: {  	[tilespmem:s3+$0x70] =	vst @p0 v8;
	v4 =	vmul.f32 @p0 $8.000000000e+00, v4;
	v63 =	vld [tilespmem:s13+$0xA470]  }
0x1cd: {  	[tilespmem:s6+$0x30] =	vst @p0 v5;
	v5 =	vmul.f32 @p0 $8.000000000e+00, v6  }
0x1ce: {  	[tilespmem:s1+$0x70] =	vst @p0 v4;
	v4 =	vmul.f32 $8.000000000e+00, v10  }
0x1cf: {  	[tilespmem:s0+$0x70] =	vst @p0 v5;
	v5 =	vmul.f32 $8.000000000e+00, v61  }
0x1d0: {  	[tilespmem:s12+$0x70] =	vst v4;
	v4 =	vmul.f32 $8.000000000e+00, v62  }
0x1d1: {  	p0 =	seq.s32 s24, $0x63;
	[tilespmem:s9+$0x30] =	vst v5;
	v5 =	vmul.f32 $8.000000000e+00, v63  }
.Ltmp13:
0x1d2: {  	[tilespmem:s30+$0x70] =	vst v4;
	(pc) =	sbr.rel @p0 .LBB2_24-.Ltmp13, $4  }
0x1d3: {  	[tilespmem:s31+$0x70] =	vst v5  }
0x1d4: {  	s0 =	rddreg [dreg:$0x5]  }
0x1d5: {  	s30 =	simm.s32 $0x8000;
	s31 =	simm.s32 $0xE440;
	s0 =	sadd.s32 s26, s0  }
0x1d6: {  	[hbm4b:s0+s17] =	stream.strided.scatter [tilespmem:s31], [sflag:$0x4], $0x2000, s30, s17, $0x38;
	[tilespmem:$0x10440] =	vst v63  }
.Ltmp14:
0x1d7: {  	(pc) =	sbr.rel .LBB2_2-.Ltmp14, $4  }
0x1d8: {  	_ = 	snop  }
0x1d9: {  	s0 =	sshrl.u32 s25, $0x2;
	s1 =	simm.s32 $0x80  }
0x1da: {  	s2 =	simm.s32 $0x8400;
	s24 =	sadd.s32 $0x1, s24;
	s0 =	sadd.s32 $0x180, s0  }
0x1db: {  	[tilespmem:s2], [sflag:$0x2] =	stream.indirect.gather [hbm4b:s4+s1], $0x40, s0, s1, $0xb8;
	[tilespmem:$0x10440] =	vst v63  }
.LBB2_5:
.Ltmp15:
0x1dc: {  	(pc) =	sbr.rel .LBB2_10-.Ltmp15, $2  }
0x1dd: {  	_ =	sdelay $0x2  }
0x1de: {  	s31 =	smov.u32 s29;
	s1 =	smov.u32 s30;
	s0 =	simm.s32 $0xC480  }
.LBB2_17:
.Ltmp16:
0x1df: {  	(pc) =	sbr.rel .LBB2_22-.Ltmp16, $2  }
0x1e0: {  	_ =	sdelay $0x2  }
0x1e1: {  	s30 =	smov.u32 s1;
	s31 =	smov.u32 s0;
	s10 =	simm.s32 $0xE480  }
.LBB2_7:
.Ltmp17:
0x1e2: {  	(pc) =	sbr.rel .LBB2_10-.Ltmp17, $4  }
0x1e3: {  	_ = 	snop  }
0x1e4: {  	s5 =	smov.u32 s26;
	s26 =	smov.u32 s23  }
0x1e5: {  	s13 =	smov.u32 s3;
	s6 =	simm.s32 $0xC480;
	s12 =	smov.u32 s8  }
0x1e6: {  	s18 =	smov.u32 s11;
	s2 =	smov.u32 s22;
	s28 =	simm.s32 $0xC680  }
.LBB2_19:
.Ltmp18:
0x1e7: {  	(pc) =	sbr.rel .LBB2_22-.Ltmp18, $4  }
0x1e8: {  	_ = 	snop  }
0x1e9: {  	s3 =	smov.u32 s12;
	s12 =	smov.u32 s28;
	s18 =	smov.u32 s5  }
0x1ea: {  	s6 =	simm.s32 $0xE480;
	s2 =	smov.u32 s11;
	s21 =	smov.u32 s22  }
0x1eb: {  	s13 =	smov.u32 s23;
	s9 =	simm.s32 $0xE680;
	s17 =	simm.s32 $0x400  }
.LBB2_25:
0x1ec: {  	_ =	sfence.sel $0x180000  }
0x1ed: {  	[bflag:$0x0] =	sbarrier.arrive $0xFFFF  }
0x1ee: {  	_ =	strace $0x90000047  }
0x1ef: {  	s0 =	stileid.u32;
	[bflag:$0x2] =	sbarrier.arrive $0xFFFF  }
0x1f0: {  	p0 =	sne.s32 s0, $0x0;
	s0 =	rddreg [dreg:$0x2]  }
0x1f1: {  	s0 =	sadd.s32 @!p0 $0x100000, s0  }
0x1f2: {  	[sflag:s0] =	ssyncadd.tile.s32 @!p0 $0x1;
	_ =	shalt  }
.Lfunc_end2:
_tile_overlayer_lowered:
.L_overlay_start_2:
0x1f3: {  	(tag) =	ssettag $0x2  }
0x1f4: {  	s0 =	rddreg [dreg:$0x0];
	s2 =	stileid.u32  }
0x1f5: {  	s1 =	rddreg [dreg:$0x1];
	p0 =	sne.s32 s2, $0x0  }
0x1f6: {  	s3 =	rddreg [dreg:$0x2];
	[bflag:$0x3] =	sbarrier.arrive $0xFFFF;
	s2 =	simm.s32 @!p0 $0x1C05  }
0x1f7: {  	[timem:s3], [sflag:s2] =	dma.local @!p0 [hbm:s0], s1  }
0x1f8: {  	s0 =	simm.s32 @!p0 $0x5  }
0x1f9: {  	_ =	swait.ge @!p0 [sflag:s0], s1  }
0x1fa: {  	s1 =	ssub.s32 @!p0 $0x0, s1;
	[sflag:s0] =	ssyncset.done @!p0 $0x0  }
0x1fb: {  	[sflag:s0] =	ssyncadd.s32 @!p0 s1  }
0x1fc: {  	[bflag:$0x3] =	sbarrier.arrive $0xFFFF  }
0x1fd: {  	_ =	shalt  }

</sc_bundles>
